<compile_context>
chip_gen: v7x
topology: tpu7x:2x2x1
jax: 0.10.2.dev20260603
libtpu: 0.0.44.dev20260713+nightly
codegen_flags: <defaults>
</compile_context>

<pallas_src>
import functools
import math

import jax
import jax.numpy as jnp
from jax import lax
from jax.experimental import pallas as pl
from jax.experimental.pallas import tpu as pltpu
from jax.experimental.pallas import tpu_sc as plsc

_B, _N, _D, _H, _DH = 2, 1024, 128, 8, 16
_T, _FF, _L = 17, 512, 2
_TP = 32
_BLK = 512
_NC, _NS = 2, 16
_NW = _NC * _NS
_RPW = (_B * _N) // _NW


def _embed_body(tok_hbm, pos_hbm, wid_hbm, pid_hbm, out_hbm,
                tid_v, pid_v, trows_v, prows_v, sem):
    wid = lax.axis_index("s") * _NC + lax.axis_index("c")
    base = wid * _RPW
    pltpu.sync_copy(wid_hbm.at[pl.ds(base, _RPW)], tid_v)
    pltpu.sync_copy(pid_hbm.at[pl.ds(base, _RPW)], pid_v)
    pltpu.async_copy(tok_hbm.at[tid_v], trows_v, sem).wait()
    pltpu.async_copy(pos_hbm.at[pid_v], prows_v, sem).wait()

    def body(r, carry):
        for c in range(_D // 16):
            sl = pl.ds(c * 16, 16)
            trows_v[r, sl] = trows_v[r, sl] + prows_v[r, sl]
        return carry

    lax.fori_loop(0, _RPW, body, 0)
    pltpu.sync_copy(trows_v, out_hbm.at[pl.ds(base, _RPW)])


def _embed(token_table, pos_table, word_ids_flat, pos_ids_flat):
    mesh = plsc.VectorSubcoreMesh(core_axis_name="c", subcore_axis_name="s")
    run = functools.partial(
        pl.kernel,
        mesh=mesh,
        out_type=jax.ShapeDtypeStruct((_B * _N, _D), jnp.float32),
        scratch_types=[
            pltpu.VMEM((_RPW,), jnp.int32),
            pltpu.VMEM((_RPW,), jnp.int32),
            pltpu.VMEM((_RPW, _D), jnp.float32),
            pltpu.VMEM((_RPW, _D), jnp.float32),
            pltpu.SemaphoreType.DMA,
        ],
    )(_embed_body)
    return run(token_table, pos_table, word_ids_flat, pos_ids_flat)


def _ln(x, g, b):
    m = jnp.mean(x, axis=1, keepdims=True)
    xc = x - m
    v = jnp.mean(xc * xc, axis=1, keepdims=True)
    return xc * lax.rsqrt(v + 1e-5) * g + b


def _layer_body(xr_ref, xf_ref, adj_ref, et_ref, ek_ref,
                wq_ref, wk_ref, wv_ref, wo_ref,
                w1_ref, b1_ref, w2_ref, b2_ref,
                g1_ref, be1_ref, g2_ref, be2_ref, out_ref):
    f32 = jnp.float32
    xq = xr_ref[0]
    x = xf_ref[0]
    madj = (adj_ref[0].astype(jnp.float32) - 1.0) * 1e9
    et = et_ref[0]
    wk = wk_ref[...]
    inv = f32(1.0 / math.sqrt(_DH))
    q = jnp.dot(xq, wq_ref[...], preferred_element_type=f32) * inv
    k = jnp.dot(x, wk, preferred_element_type=f32)
    v = jnp.dot(x, wv_ref[...], preferred_element_type=f32)
    ekw = jnp.dot(ek_ref[...], wk, preferred_element_type=f32)
    def score(h):
        sl = slice(h * _DH, (h + 1) * _DH)
        qh = q[:, sl]
        s = lax.dot_general(qh, k[:, sl], (((1,), (1,)), ((), ())),
                            preferred_element_type=f32)
        qe = lax.dot_general(qh, ekw[:, sl], (((1,), (1,)), ((), ())),
                             preferred_element_type=f32)
        return s + jnp.take_along_axis(qe, et, axis=1) + madj

    vb = v.astype(jnp.bfloat16)
    outs = []
    s_next = score(0)
    for h in range(_H):
        s = s_next
        if h + 1 < _H:
            s_next = score(h + 1)
        vh = vb[:, h * _DH:(h + 1) * _DH]
        m = jnp.max(s, axis=1, keepdims=True)
        e = jnp.exp(s - m)
        r = 1.0 / jnp.sum(e, axis=1, keepdims=True)
        outs.append(jnp.dot(e.astype(jnp.bfloat16), vh,
                            preferred_element_type=f32) * r)
    o = jnp.concatenate(outs, axis=1)
    x1 = xq + jnp.dot(o, wo_ref[...], preferred_element_type=f32)
    x1 = _ln(x1, g1_ref[...], be1_ref[...])
    ffh = jnp.maximum(
        jnp.dot(x1, w1_ref[...], preferred_element_type=f32) + b1_ref[...], 0.0)
    ff = jnp.dot(ffh, w2_ref[...], preferred_element_type=f32) + b2_ref[...]
    out_ref[0] = _ln(x1 + ff, g2_ref[...], be2_ref[...])


def _layer(x, adj_i8, edge_types, ek_pad, wq, wk, wv, wo, w1, b1, w2, b2,
           g1, be1, g2, be2):
    grid = (_B, _N // _BLK)
    full2 = lambda a: pl.BlockSpec(a.shape, lambda b, i: (0,) * a.ndim)
    return pl.pallas_call(
        _layer_body,
        grid=grid,
        in_specs=[
            pl.BlockSpec((1, _BLK, _D), lambda b, i: (b, i, 0)),
            pl.BlockSpec((1, _N, _D), lambda b, i: (b, 0, 0)),
            pl.BlockSpec((1, _BLK, _N), lambda b, i: (b, i, 0)),
            pl.BlockSpec((1, _BLK, _N), lambda b, i: (b, i, 0)),
            full2(ek_pad), full2(wq), full2(wk), full2(wv), full2(wo),
            full2(w1), full2(b1), full2(w2), full2(b2),
            full2(g1), full2(be1), full2(g2), full2(be2),
        ],
        out_specs=pl.BlockSpec((1, _BLK, _D), lambda b, i: (b, i, 0)),
        out_shape=jax.ShapeDtypeStruct((_B, _N, _D), jnp.float32),
        compiler_params=pltpu.CompilerParams(
            dimension_semantics=("arbitrary", "arbitrary")),
    )(x, x, adj_i8, edge_types, ek_pad, wq, wk, wv, wo, w1, b1, w2, b2,
      g1, be1, g2, be2)


def kernel(word_ids, position_ids, adj, edge_types, token_table, pos_table,
           edge_table, Wq, Wk, Wv, Wo, W1, b1, W2, b2, g1, be1, g2, be2):
    x = _embed(token_table, pos_table,
               word_ids.reshape(-1).astype(jnp.int32),
               position_ids.reshape(-1).astype(jnp.int32))
    x = x.reshape(_B, _N, _D)
    adj_i8 = adj.astype(jnp.int8)
    ek_pad = jnp.zeros((_TP, _D), jnp.float32).at[:_T].set(edge_table)
    for l in range(_L):
        x = _layer(x, adj_i8, edge_types, ek_pad,
                   Wq[l], Wk[l], Wv[l], Wo[l],
                   W1[l], b1[l].reshape(1, _FF), W2[l], b2[l].reshape(1, _D),
                   g1[l].reshape(1, _D), be1[l].reshape(1, _D),
                   g2[l].reshape(1, _D), be2[l].reshape(1, _D))
    return x

# --- scband reference (transcript-rebuilt; emitter-appended) ---
"""Pipeline reference for scband-gatmodel-17738214933241 (READ-ONLY COPY).

The authoritative reference and input builder live on the scoring server;
editing this copy changes nothing except your own understanding.
"""

import jax, jax.numpy as jnp
import numpy as np

B, N, D, H, L = 2, 1024, 128, 8, 2
DH = D // H
V, T, FF = 50000, 17, 512


def _ln(x, g, b):
    m = x.mean(-1, keepdims=True)
    v = x.var(-1, keepdims=True)
    return (x - m) / jnp.sqrt(v + 1e-5) * g + b


def setup_inputs(seed: int = 0) -> dict:
    key = jax.random.key(seed)
    ks = jax.random.split(key, 24)
    word_ids = jax.random.randint(ks[0], (B, N), 0, V)
    position_ids = jnp.tile(jnp.arange(N), (B, 1))
    adj = jax.random.bernoulli(ks[1], 0.03, (B, N, N))
    edge_types = jax.random.randint(ks[2], (B, N, N), 0, T)
    token_table = jax.random.normal(ks[3], (V, D), dtype=jnp.float32) * 0.02
    pos_table = jax.random.normal(ks[4], (N, D), dtype=jnp.float32) * 0.02
    edge_table = jax.random.normal(ks[5], (T, D), dtype=jnp.float32) * 0.02
    s = 1.0 / np.sqrt(D)
    Wq = jax.random.normal(ks[6], (L, D, D), dtype=jnp.float32) * s
    Wk = jax.random.normal(ks[7], (L, D, D), dtype=jnp.float32) * s
    Wv = jax.random.normal(ks[8], (L, D, D), dtype=jnp.float32) * s
    Wo = jax.random.normal(ks[9], (L, D, D), dtype=jnp.float32) * s
    W1 = jax.random.normal(ks[10], (L, D, FF), dtype=jnp.float32) * s
    b1 = jnp.zeros((L, FF), dtype=jnp.float32)
    W2 = jax.random.normal(ks[11], (L, FF, D), dtype=jnp.float32) * (1.0 / np.sqrt(FF))
    b2 = jnp.zeros((L, D), dtype=jnp.float32)
    g1 = jnp.ones((L, D), dtype=jnp.float32)
    be1 = jnp.zeros((L, D), dtype=jnp.float32)
    g2 = jnp.ones((L, D), dtype=jnp.float32)
    be2 = jnp.zeros((L, D), dtype=jnp.float32)
    return {"word_ids": word_ids, "position_ids": position_ids, "adj": adj,
            "edge_types": edge_types, "token_table": token_table, "pos_table": pos_table,
            "edge_table": edge_table, "Wq": Wq, "Wk": Wk, "Wv": Wv, "Wo": Wo,
            "W1": W1, "b1": b1, "W2": W2, "b2": b2,
            "g1": g1, "be1": be1, "g2": g2, "be2": be2}


def reference(word_ids, position_ids, adj, edge_types, token_table, pos_table,
              edge_table, Wq, Wk, Wv, Wo, W1, b1, W2, b2, g1, be1, g2, be2):
    # token embedding + positional embedding
    x = jnp.take(token_table, word_ids, axis=0) + jnp.take(pos_table, position_ids, axis=0)
    for l in range(L):
        q = (x @ Wq[l]).reshape(B, N, H, DH).transpose(0, 2, 1, 3)
        k = (x @ Wk[l]).reshape(B, N, H, DH).transpose(0, 2, 1, 3)
        v = (x @ Wv[l]).reshape(B, N, H, DH).transpose(0, 2, 1, 3)
        scores = jnp.einsum('bhid,bhjd->bhij', q, k)
        # key edge features: project edge-type embeddings into key space,
        # score contribution s_edge[b,h,i,j] = q_i . ek[edge_types[b,i,j]]
        ek = (edge_table @ Wk[l]).reshape(T, H, DH)
        qE = jnp.einsum('bhid,thd->bhit', q, ek)
        idx = jnp.broadcast_to(edge_types[:, None, :, :], (B, H, N, N))
        s_edge = jnp.take_along_axis(qE, idx, axis=-1)
        scores = (scores + s_edge) / np.sqrt(DH)
        scores = jnp.where(adj[:, None, :, :], scores, -1e9)
        attn = jax.nn.softmax(scores, axis=-1)
        out = jnp.einsum('bhij,bhjd->bhid', attn, v).transpose(0, 2, 1, 3).reshape(B, N, D)
        x = _ln(x + out @ Wo[l], g1[l], be1[l])
        ff = jax.nn.relu(x @ W1[l] + b1[l]) @ W2[l] + b2[l]
        x = _ln(x + ff, g2[l], be2[l])
    return x

if __name__ == "__main__":
    import jax
    _d = setup_inputs()
    print(jax.jit(kernel)(*tuple(_d.values())))

</pallas_src>

<mosaic_0001>
#map = affine_map<(d0, d1) -> (0, 0)>
#map1 = affine_map<(d0, d1) -> (0)>
module attributes {stable_mosaic.version = 14 : i64} {
  func.func @_embed_body(%arg0: i32, %arg1: i32, %arg2: memref<50000x128xf32, #tpu.memory_space<hbm>>, %arg3: memref<1024x128xf32, #tpu.memory_space<hbm>>, %arg4: memref<2048xi32, #tpu.memory_space<hbm>>, %arg5: memref<2048xi32, #tpu.memory_space<hbm>>, %arg6: memref<2048x128xf32, #tpu.memory_space<hbm>>, %arg7: memref<64xi32, #tpu.memory_space<vmem>>, %arg8: memref<64xi32, #tpu.memory_space<vmem>>, %arg9: memref<64x128xf32, #tpu.memory_space<vmem>>, %arg10: memref<64x128xf32, #tpu.memory_space<vmem>>, %arg11: memref<!tpu.dma_semaphore, #tpu.memory_space<semaphore_mem>>) attributes {dimension_semantics = [#tpu.dimension_semantics<core_parallel>, #tpu.dimension_semantics<subcore_parallel>], iteration_bounds = array<i64: 2, 16>, scalar_prefetch = 0 : i64, scratch_operands = 5 : i64, tpu.core_type = #tpu.core_type<sc_vector_subcore>, window_params = [{transform_indices = #map}, {transform_indices = #map}, {transform_indices = #map1}, {transform_indices = #map1}, {transform_indices = #map}]} {
    %mul3A = arith.constant 2 : i32
    %mul3A_0 = arith.muli %arg1, %mul3A : i32
    %add3A = arith.addi %mul3A_0, %arg0 : i32
    %mul3A_1 = arith.constant 64 : i32
    %mul3A_2 = arith.muli %add3A, %mul3A_1 : i32
    "tpu.region"() ({
      %run_scoped3A = tpu.sem_alloc : memref<!tpu.dma_semaphore, #tpu.memory_space<semaphore_mem>>
      %dma_start3A_18 = tpu.memref_slice %arg4[%mul3A_2] : memref<2048xi32, #tpu.memory_space<hbm>> -> memref<64xi32, #tpu.memory_space<hbm>>
      %dma_start3A_19 = tpu.memref_slice %arg4[%mul3A_2] : memref<2048xi32, #tpu.memory_space<hbm>> -> memref<64xi32, #tpu.memory_space<hbm>>
      tpu.enqueue_dma source(%dma_start3A_19 : memref<64xi32, #tpu.memory_space<hbm>>) target(%arg7 : memref<64xi32, #tpu.memory_space<vmem>>) target_semaphore(%run_scoped3A : memref<!tpu.dma_semaphore, #tpu.memory_space<semaphore_mem>>)
      %dma_wait3A_20 = tpu.memref_slice %arg4[%mul3A_2] : memref<2048xi32, #tpu.memory_space<hbm>> -> memref<64xi32, #tpu.memory_space<hbm>>
      %dma_wait3A_21 = tpu.memref_slice %arg4[%mul3A_2] : memref<2048xi32, #tpu.memory_space<hbm>> -> memref<64xi32, #tpu.memory_space<hbm>>
      tpu.wait_dma2 semaphore(%run_scoped3A : memref<!tpu.dma_semaphore, #tpu.memory_space<semaphore_mem>>) src(%dma_wait3A_21 : memref<64xi32, #tpu.memory_space<hbm>>) dst(%arg7 : memref<64xi32, #tpu.memory_space<vmem>>)
      tpu.yield
    }) : () -> ()
    "tpu.region"() ({
      %run_scoped3A = tpu.sem_alloc : memref<!tpu.dma_semaphore, #tpu.memory_space<semaphore_mem>>
      %dma_start3A_18 = tpu.memref_slice %arg5[%mul3A_2] : memref<2048xi32, #tpu.memory_space<hbm>> -> memref<64xi32, #tpu.memory_space<hbm>>
      %dma_start3A_19 = tpu.memref_slice %arg5[%mul3A_2] : memref<2048xi32, #tpu.memory_space<hbm>> -> memref<64xi32, #tpu.memory_space<hbm>>
      tpu.enqueue_dma source(%dma_start3A_19 : memref<64xi32, #tpu.memory_space<hbm>>) target(%arg8 : memref<64xi32, #tpu.memory_space<vmem>>) target_semaphore(%run_scoped3A : memref<!tpu.dma_semaphore, #tpu.memory_space<semaphore_mem>>)
      %dma_wait3A_20 = tpu.memref_slice %arg5[%mul3A_2] : memref<2048xi32, #tpu.memory_space<hbm>> -> memref<64xi32, #tpu.memory_space<hbm>>
      %dma_wait3A_21 = tpu.memref_slice %arg5[%mul3A_2] : memref<2048xi32, #tpu.memory_space<hbm>> -> memref<64xi32, #tpu.memory_space<hbm>>
      tpu.wait_dma2 semaphore(%run_scoped3A : memref<!tpu.dma_semaphore, #tpu.memory_space<semaphore_mem>>) src(%dma_wait3A_21 : memref<64xi32, #tpu.memory_space<hbm>>) dst(%arg8 : memref<64xi32, #tpu.memory_space<vmem>>)
      tpu.yield
    }) : () -> ()
    %dma_start3A = arith.constant 0 : i32
    %dma_start3A_3 = arith.constant 0 : i32
    %dma_start3A_4 = tpu.memref_slice %arg2[%dma_start3A, %dma_start3A_3] : memref<50000x128xf32, #tpu.memory_space<hbm>> -> memref<50000x128xf32, #tpu.memory_space<hbm>>
    tpu.enqueue_indirect_dma source(%dma_start3A_4 : memref<50000x128xf32, #tpu.memory_space<hbm>>) target(%arg9 : memref<64x128xf32, #tpu.memory_space<vmem>>) offsets(%arg7 : memref<64xi32, #tpu.memory_space<vmem>>) semaphore(%arg11 : memref<!tpu.dma_semaphore, #tpu.memory_space<semaphore_mem>>)
    %dma_wait3A = arith.constant 0 : i32
    %dma_wait3A_5 = arith.constant 0 : i32
    %dma_wait3A_6 = tpu.memref_slice %arg2[%dma_wait3A, %dma_wait3A_5] : memref<50000x128xf32, #tpu.memory_space<hbm>> -> memref<50000x128xf32, #tpu.memory_space<hbm>>
    tpu.wait_indirect_dma semaphore(%arg11 : memref<!tpu.dma_semaphore, #tpu.memory_space<semaphore_mem>>) src(%dma_wait3A_6 : memref<50000x128xf32, #tpu.memory_space<hbm>>) dst(%arg9 : memref<64x128xf32, #tpu.memory_space<vmem>>)
    %dma_start3A_7 = arith.constant 0 : i32
    %dma_start3A_8 = arith.constant 0 : i32
    %dma_start3A_9 = tpu.memref_slice %arg3[%dma_start3A_7, %dma_start3A_8] : memref<1024x128xf32, #tpu.memory_space<hbm>> -> memref<1024x128xf32, #tpu.memory_space<hbm>>
    tpu.enqueue_indirect_dma source(%dma_start3A_9 : memref<1024x128xf32, #tpu.memory_space<hbm>>) target(%arg10 : memref<64x128xf32, #tpu.memory_space<vmem>>) offsets(%arg8 : memref<64xi32, #tpu.memory_space<vmem>>) semaphore(%arg11 : memref<!tpu.dma_semaphore, #tpu.memory_space<semaphore_mem>>)
    %dma_wait3A_10 = arith.constant 0 : i32
    %dma_wait3A_11 = arith.constant 0 : i32
    %dma_wait3A_12 = tpu.memref_slice %arg3[%dma_wait3A_10, %dma_wait3A_11] : memref<1024x128xf32, #tpu.memory_space<hbm>> -> memref<1024x128xf32, #tpu.memory_space<hbm>>
    tpu.wait_indirect_dma semaphore(%arg11 : memref<!tpu.dma_semaphore, #tpu.memory_space<semaphore_mem>>) src(%dma_wait3A_12 : memref<1024x128xf32, #tpu.memory_space<hbm>>) dst(%arg10 : memref<64x128xf32, #tpu.memory_space<vmem>>)
    %scan3A = arith.constant 0 : i32
    %scan3A_13 = arith.constant 0 : i32
    %scan3A_14 = arith.constant 64 : i32
    %scan3A_15 = arith.addi %scan3A_13, %scan3A_14 : i32
    %scan3A_16 = arith.constant 1 : i32
    scf.for %scan3A_18 = %scan3A_13 to %scan3A_15 step %scan3A_16  : i32 {
      %get3A = arith.index_cast %scan3A_18 : i32 to index
      %get3A_19 = arith.constant 0 : index
      %get3A_20 = tpu.vector_load %arg9[%get3A, %get3A_19] {strides = array<i32>} : memref<64x128xf32, #tpu.memory_space<vmem>>, vector<1x16xf32>,
      %get3A_21 = vector.shape_cast %get3A_20 : vector<1x16xf32> to vector<16xf32>
      %get3A_22 = arith.index_cast %scan3A_18 : i32 to index
      %get3A_23 = arith.constant 0 : index
      %get3A_24 = tpu.vector_load %arg10[%get3A_22, %get3A_23] {strides = array<i32>} : memref<64x128xf32, #tpu.memory_space<vmem>>, vector<1x16xf32>,
      %get3A_25 = vector.shape_cast %get3A_24 : vector<1x16xf32> to vector<16xf32>
      %add3A_26 = arith.addf %get3A_21, %get3A_25 : vector<16xf32>
      %swap3A = arith.index_cast %scan3A_18 : i32 to index
      %swap3A_27 = arith.constant 0 : index
      %swap3A_28 = tpu.vector_load %arg9[%swap3A, %swap3A_27] {strides = array<i32>} : memref<64x128xf32, #tpu.memory_space<vmem>>, vector<1x16xf32>,
      %swap3A_29 = vector.shape_cast %swap3A_28 : vector<1x16xf32> to vector<16xf32>
      %swap3A_30 = vector.shape_cast %add3A_26 : vector<16xf32> to vector<1x16xf32>
      tpu.vector_store %arg9[%swap3A, %swap3A_27], %swap3A_30 {strides = array<i32>} : memref<64x128xf32, #tpu.memory_space<vmem>>, vector<1x16xf32>,
      %get3A_31 = arith.index_cast %scan3A_18 : i32 to index
      %get3A_32 = arith.constant 16 : index
      %get3A_33 = tpu.vector_load %arg9[%get3A_31, %get3A_32] {strides = array<i32>} : memref<64x128xf32, #tpu.memory_space<vmem>>, vector<1x16xf32>,
      %get3A_34 = vector.shape_cast %get3A_33 : vector<1x16xf32> to vector<16xf32>
      %get3A_35 = arith.index_cast %scan3A_18 : i32 to index
      %get3A_36 = arith.constant 16 : index
      %get3A_37 = tpu.vector_load %arg10[%get3A_35, %get3A_36] {strides = array<i32>} : memref<64x128xf32, #tpu.memory_space<vmem>>, vector<1x16xf32>,
      %get3A_38 = vector.shape_cast %get3A_37 : vector<1x16xf32> to vector<16xf32>
      %add3A_39 = arith.addf %get3A_34, %get3A_38 : vector<16xf32>
      %swap3A_40 = arith.index_cast %scan3A_18 : i32 to index
      %swap3A_41 = arith.constant 16 : index
      %swap3A_42 = tpu.vector_load %arg9[%swap3A_40, %swap3A_41] {strides = array<i32>} : memref<64x128xf32, #tpu.memory_space<vmem>>, vector<1x16xf32>,
      %swap3A_43 = vector.shape_cast %swap3A_42 : vector<1x16xf32> to vector<16xf32>
      %swap3A_44 = vector.shape_cast %add3A_39 : vector<16xf32> to vector<1x16xf32>
      tpu.vector_store %arg9[%swap3A_40, %swap3A_41], %swap3A_44 {strides = array<i32>} : memref<64x128xf32, #tpu.memory_space<vmem>>, vector<1x16xf32>,
      %get3A_45 = arith.index_cast %scan3A_18 : i32 to index
      %get3A_46 = arith.constant 32 : index
      %get3A_47 = tpu.vector_load %arg9[%get3A_45, %get3A_46] {strides = array<i32>} : memref<64x128xf32, #tpu.memory_space<vmem>>, vector<1x16xf32>,
      %get3A_48 = vector.shape_cast %get3A_47 : vector<1x16xf32> to vector<16xf32>
      %get3A_49 = arith.index_cast %scan3A_18 : i32 to index
      %get3A_50 = arith.constant 32 : index
      %get3A_51 = tpu.vector_load %arg10[%get3A_49, %get3A_50] {strides = array<i32>} : memref<64x128xf32, #tpu.memory_space<vmem>>, vector<1x16xf32>,
      %get3A_52 = vector.shape_cast %get3A_51 : vector<1x16xf32> to vector<16xf32>
      %add3A_53 = arith.addf %get3A_48, %get3A_52 : vector<16xf32>
      %swap3A_54 = arith.index_cast %scan3A_18 : i32 to index
      %swap3A_55 = arith.constant 32 : index
      %swap3A_56 = tpu.vector_load %arg9[%swap3A_54, %swap3A_55] {strides = array<i32>} : memref<64x128xf32, #tpu.memory_space<vmem>>, vector<1x16xf32>,
      %swap3A_57 = vector.shape_cast %swap3A_56 : vector<1x16xf32> to vector<16xf32>
      %swap3A_58 = vector.shape_cast %add3A_53 : vector<16xf32> to vector<1x16xf32>
      tpu.vector_store %arg9[%swap3A_54, %swap3A_55], %swap3A_58 {strides = array<i32>} : memref<64x128xf32, #tpu.memory_space<vmem>>, vector<1x16xf32>,
      %get3A_59 = arith.index_cast %scan3A_18 : i32 to index
      %get3A_60 = arith.constant 48 : index
      %get3A_61 = tpu.vector_load %arg9[%get3A_59, %get3A_60] {strides = array<i32>} : memref<64x128xf32, #tpu.memory_space<vmem>>, vector<1x16xf32>,
      %get3A_62 = vector.shape_cast %get3A_61 : vector<1x16xf32> to vector<16xf32>
      %get3A_63 = arith.index_cast %scan3A_18 : i32 to index
      %get3A_64 = arith.constant 48 : index
      %get3A_65 = tpu.vector_load %arg10[%get3A_63, %get3A_64] {strides = array<i32>} : memref<64x128xf32, #tpu.memory_space<vmem>>, vector<1x16xf32>,
      %get3A_66 = vector.shape_cast %get3A_65 : vector<1x16xf32> to vector<16xf32>
      %add3A_67 = arith.addf %get3A_62, %get3A_66 : vector<16xf32>
      %swap3A_68 = arith.index_cast %scan3A_18 : i32 to index
      %swap3A_69 = arith.constant 48 : index
      %swap3A_70 = tpu.vector_load %arg9[%swap3A_68, %swap3A_69] {strides = array<i32>} : memref<64x128xf32, #tpu.memory_space<vmem>>, vector<1x16xf32>,
      %swap3A_71 = vector.shape_cast %swap3A_70 : vector<1x16xf32> to vector<16xf32>
      %swap3A_72 = vector.shape_cast %add3A_67 : vector<16xf32> to vector<1x16xf32>
      tpu.vector_store %arg9[%swap3A_68, %swap3A_69], %swap3A_72 {strides = array<i32>} : memref<64x128xf32, #tpu.memory_space<vmem>>, vector<1x16xf32>,
      %get3A_73 = arith.index_cast %scan3A_18 : i32 to index
      %get3A_74 = arith.constant 64 : index
      %get3A_75 = tpu.vector_load %arg9[%get3A_73, %get3A_74] {strides = array<i32>} : memref<64x128xf32, #tpu.memory_space<vmem>>, vector<1x16xf32>,
      %get3A_76 = vector.shape_cast %get3A_75 : vector<1x16xf32> to vector<16xf32>
      %get3A_77 = arith.index_cast %scan3A_18 : i32 to index
      %get3A_78 = arith.constant 64 : index
      %get3A_79 = tpu.vector_load %arg10[%get3A_77, %get3A_78] {strides = array<i32>} : memref<64x128xf32, #tpu.memory_space<vmem>>, vector<1x16xf32>,
      %get3A_80 = vector.shape_cast %get3A_79 : vector<1x16xf32> to vector<16xf32>
      %add3A_81 = arith.addf %get3A_76, %get3A_80 : vector<16xf32>
      %swap3A_82 = arith.index_cast %scan3A_18 : i32 to index
      %swap3A_83 = arith.constant 64 : index
      %swap3A_84 = tpu.vector_load %arg9[%swap3A_82, %swap3A_83] {strides = array<i32>} : memref<64x128xf32, #tpu.memory_space<vmem>>, vector<1x16xf32>,
      %swap3A_85 = vector.shape_cast %swap3A_84 : vector<1x16xf32> to vector<16xf32>
      %swap3A_86 = vector.shape_cast %add3A_81 : vector<16xf32> to vector<1x16xf32>
      tpu.vector_store %arg9[%swap3A_82, %swap3A_83], %swap3A_86 {strides = array<i32>} : memref<64x128xf32, #tpu.memory_space<vmem>>, vector<1x16xf32>,
      %get3A_87 = arith.index_cast %scan3A_18 : i32 to index
      %get3A_88 = arith.constant 80 : index
      %get3A_89 = tpu.vector_load %arg9[%get3A_87, %get3A_88] {strides = array<i32>} : memref<64x128xf32, #tpu.memory_space<vmem>>, vector<1x16xf32>,
      %get3A_90 = vector.shape_cast %get3A_89 : vector<1x16xf32> to vector<16xf32>
      %get3A_91 = arith.index_cast %scan3A_18 : i32 to index
      %get3A_92 = arith.constant 80 : index
      %get3A_93 = tpu.vector_load %arg10[%get3A_91, %get3A_92] {strides = array<i32>} : memref<64x128xf32, #tpu.memory_space<vmem>>, vector<1x16xf32>,
      %get3A_94 = vector.shape_cast %get3A_93 : vector<1x16xf32> to vector<16xf32>
      %add3A_95 = arith.addf %get3A_90, %get3A_94 : vector<16xf32>
      %swap3A_96 = arith.index_cast %scan3A_18 : i32 to index
      %swap3A_97 = arith.constant 80 : index
      %swap3A_98 = tpu.vector_load %arg9[%swap3A_96, %swap3A_97] {strides = array<i32>} : memref<64x128xf32, #tpu.memory_space<vmem>>, vector<1x16xf32>,
      %swap3A_99 = vector.shape_cast %swap3A_98 : vector<1x16xf32> to vector<16xf32>
      %swap3A_100 = vector.shape_cast %add3A_95 : vector<16xf32> to vector<1x16xf32>
      tpu.vector_store %arg9[%swap3A_96, %swap3A_97], %swap3A_100 {strides = array<i32>} : memref<64x128xf32, #tpu.memory_space<vmem>>, vector<1x16xf32>,
      %get3A_101 = arith.index_cast %scan3A_18 : i32 to index
      %get3A_102 = arith.constant 96 : index
      %get3A_103 = tpu.vector_load %arg9[%get3A_101, %get3A_102] {strides = array<i32>} : memref<64x128xf32, #tpu.memory_space<vmem>>, vector<1x16xf32>,
      %get3A_104 = vector.shape_cast %get3A_103 : vector<1x16xf32> to vector<16xf32>
      %get3A_105 = arith.index_cast %scan3A_18 : i32 to index
      %get3A_106 = arith.constant 96 : index
      %get3A_107 = tpu.vector_load %arg10[%get3A_105, %get3A_106] {strides = array<i32>} : memref<64x128xf32, #tpu.memory_space<vmem>>, vector<1x16xf32>,
      %get3A_108 = vector.shape_cast %get3A_107 : vector<1x16xf32> to vector<16xf32>
      %add3A_109 = arith.addf %get3A_104, %get3A_108 : vector<16xf32>
      %swap3A_110 = arith.index_cast %scan3A_18 : i32 to index
      %swap3A_111 = arith.constant 96 : index
      %swap3A_112 = tpu.vector_load %arg9[%swap3A_110, %swap3A_111] {strides = array<i32>} : memref<64x128xf32, #tpu.memory_space<vmem>>, vector<1x16xf32>,
      %swap3A_113 = vector.shape_cast %swap3A_112 : vector<1x16xf32> to vector<16xf32>
      %swap3A_114 = vector.shape_cast %add3A_109 : vector<16xf32> to vector<1x16xf32>
      tpu.vector_store %arg9[%swap3A_110, %swap3A_111], %swap3A_114 {strides = array<i32>} : memref<64x128xf32, #tpu.memory_space<vmem>>, vector<1x16xf32>,
      %get3A_115 = arith.index_cast %scan3A_18 : i32 to index
      %get3A_116 = arith.constant 112 : index
      %get3A_117 = tpu.vector_load %arg9[%get3A_115, %get3A_116] {strides = array<i32>} : memref<64x128xf32, #tpu.memory_space<vmem>>, vector<1x16xf32>,
      %get3A_118 = vector.shape_cast %get3A_117 : vector<1x16xf32> to vector<16xf32>
      %get3A_119 = arith.index_cast %scan3A_18 : i32 to index
      %get3A_120 = arith.constant 112 : index
      %get3A_121 = tpu.vector_load %arg10[%get3A_119, %get3A_120] {strides = array<i32>} : memref<64x128xf32, #tpu.memory_space<vmem>>, vector<1x16xf32>,
      %get3A_122 = vector.shape_cast %get3A_121 : vector<1x16xf32> to vector<16xf32>
      %add3A_123 = arith.addf %get3A_118, %get3A_122 : vector<16xf32>
      %swap3A_124 = arith.index_cast %scan3A_18 : i32 to index
      %swap3A_125 = arith.constant 112 : index
      %swap3A_126 = tpu.vector_load %arg9[%swap3A_124, %swap3A_125] {strides = array<i32>} : memref<64x128xf32, #tpu.memory_space<vmem>>, vector<1x16xf32>,
      %swap3A_127 = vector.shape_cast %swap3A_126 : vector<1x16xf32> to vector<16xf32>
      %swap3A_128 = vector.shape_cast %add3A_123 : vector<16xf32> to vector<1x16xf32>
      tpu.vector_store %arg9[%swap3A_124, %swap3A_125], %swap3A_128 {strides = array<i32>} : memref<64x128xf32, #tpu.memory_space<vmem>>, vector<1x16xf32>,
    }
    %scan3A_17 = arith.constant 64 : i32
    "tpu.region"() ({
      %run_scoped3A = tpu.sem_alloc : memref<!tpu.dma_semaphore, #tpu.memory_space<semaphore_mem>>
      %dma_start3A_18 = arith.constant 0 : i32
      %dma_start3A_19 = tpu.memref_slice %arg6[%mul3A_2, %dma_start3A_18] : memref<2048x128xf32, #tpu.memory_space<hbm>> -> memref<64x128xf32, #tpu.memory_space<hbm>>
      %dma_start3A_20 = arith.constant 0 : i32
      %dma_start3A_21 = tpu.memref_slice %arg6[%mul3A_2, %dma_start3A_20] : memref<2048x128xf32, #tpu.memory_space<hbm>> -> memref<64x128xf32, #tpu.memory_space<hbm>>
      tpu.enqueue_dma source(%arg9 : memref<64x128xf32, #tpu.memory_space<vmem>>) target(%dma_start3A_21 : memref<64x128xf32, #tpu.memory_space<hbm>>) target_semaphore(%run_scoped3A : memref<!tpu.dma_semaphore, #tpu.memory_space<semaphore_mem>>)
      %dma_wait3A_22 = arith.constant 0 : i32
      %dma_wait3A_23 = tpu.memref_slice %arg6[%mul3A_2, %dma_wait3A_22] : memref<2048x128xf32, #tpu.memory_space<hbm>> -> memref<64x128xf32, #tpu.memory_space<hbm>>
      %dma_wait3A_24 = arith.constant 0 : i32
      %dma_wait3A_25 = tpu.memref_slice %arg6[%mul3A_2, %dma_wait3A_24] : memref<2048x128xf32, #tpu.memory_space<hbm>> -> memref<64x128xf32, #tpu.memory_space<hbm>>
      tpu.wait_dma2 semaphore(%run_scoped3A : memref<!tpu.dma_semaphore, #tpu.memory_space<semaphore_mem>>) src(%arg9 : memref<64x128xf32, #tpu.memory_space<vmem>>) dst(%dma_wait3A_25 : memref<64x128xf32, #tpu.memory_space<hbm>>)
      tpu.yield
    }) : () -> ()
    return
  }
}

module attributes {stable_mosaic.version = 14 : i64} {
  func.func @_layer_body(%arg0: i32, %arg1: i32, %arg2: memref<1x512x128xf32, #tpu.memory_space<vmem>>, %arg3: memref<1x1024x128xf32, #tpu.memory_space<vmem>>, %arg4: memref<1x512x1024xi8, #tpu.memory_space<vmem>>, %arg5: memref<1x512x1024xi32, #tpu.memory_space<vmem>>, %arg6: memref<32x128xf32, #tpu.memory_space<vmem>>, %arg7: memref<128x128xf32, #tpu.memory_space<vmem>>, %arg8: memref<128x128xf32, #tpu.memory_space<vmem>>, %arg9: memref<128x128xf32, #tpu.memory_space<vmem>>, %arg10: memref<128x128xf32, #tpu.memory_space<vmem>>, %arg11: memref<128x512xf32, #tpu.memory_space<vmem>>, %arg12: memref<1x512xf32, #tpu.memory_space<vmem>>, %arg13: memref<512x128xf32, #tpu.memory_space<vmem>>, %arg14: memref<1x128xf32, #tpu.memory_space<vmem>>, %arg15: memref<1x128xf32, #tpu.memory_space<vmem>>, %arg16: memref<1x128xf32, #tpu.memory_space<vmem>>, %arg17: memref<1x128xf32, #tpu.memory_space<vmem>>, %arg18: memref<1x128xf32, #tpu.memory_space<vmem>>, %arg19: memref<1x512x128xf32, #tpu.memory_space<vmem>>) attributes {dimension_semantics = [#tpu.dimension_semantics<arbitrary>, #tpu.dimension_semantics<arbitrary>], iteration_bounds = array<i64: 2, 2>, scalar_prefetch = 0 : i64, scratch_operands = 0 : i64, tpu.core_type = #tpu.core_type<tc>, window_params = [{transform_indices = @transform_0, window_bounds = array<i64: 1, 512, 128>}, {transform_indices = @transform_1, window_bounds = array<i64: 1, 1024, 128>}, {transform_indices = @transform_2, window_bounds = array<i64: 1, 512, 1024>}, {transform_indices = @transform_3, window_bounds = array<i64: 1, 512, 1024>}, {pipeline_mode = #tpu.pipeline_mode<synchronous>, transform_indices = @transform_4, window_bounds = array<i64: 32, 128>}, {pipeline_mode = #tpu.pipeline_mode<synchronous>, transform_indices = @transform_5, window_bounds = array<i64: 128, 128>}, {pipeline_mode = #tpu.pipeline_mode<synchronous>, transform_indices = @transform_6, window_bounds = array<i64: 128, 128>}, {pipeline_mode = #tpu.pipeline_mode<synchronous>, transform_indices = @transform_7, window_bounds = array<i64: 128, 128>}, {pipeline_mode = #tpu.pipeline_mode<synchronous>, transform_indices = @transform_8, window_bounds = array<i64: 128, 128>}, {pipeline_mode = #tpu.pipeline_mode<synchronous>, transform_indices = @transform_9, window_bounds = array<i64: 128, 512>}, {pipeline_mode = #tpu.pipeline_mode<synchronous>, transform_indices = @transform_10, window_bounds = array<i64: 1, 512>}, {pipeline_mode = #tpu.pipeline_mode<synchronous>, transform_indices = @transform_11, window_bounds = array<i64: 512, 128>}, {pipeline_mode = #tpu.pipeline_mode<synchronous>, transform_indices = @transform_12, window_bounds = array<i64: 1, 128>}, {pipeline_mode = #tpu.pipeline_mode<synchronous>, transform_indices = @transform_13, window_bounds = array<i64: 1, 128>}, {pipeline_mode = #tpu.pipeline_mode<synchronous>, transform_indices = @transform_14, window_bounds = array<i64: 1, 128>}, {pipeline_mode = #tpu.pipeline_mode<synchronous>, transform_indices = @transform_15, window_bounds = array<i64: 1, 128>}, {pipeline_mode = #tpu.pipeline_mode<synchronous>, transform_indices = @transform_16, window_bounds = array<i64: 1, 128>}, {transform_indices = @transform_17, window_bounds = array<i64: 1, 512, 128>}]} {
    %get3A = arith.constant 0 : index
    %get3A_0 = arith.constant 0 : index
    %get3A_1 = arith.constant 0 : index
    %get3A_2 = vector.load %arg2[%get3A, %get3A_0, %get3A_1] : memref<1x512x128xf32, #tpu.memory_space<vmem>>, vector<1x512x128xf32>
    %get3A_3 = vector.shape_cast %get3A_2 : vector<1x512x128xf32> to vector<512x128xf32>
    %get3A_4 = arith.constant 0 : index
    %get3A_5 = arith.constant 0 : index
    %get3A_6 = arith.constant 0 : index
    %get3A_7 = vector.load %arg3[%get3A_4, %get3A_5, %get3A_6] : memref<1x1024x128xf32, #tpu.memory_space<vmem>>, vector<1x1024x128xf32>
    %get3A_8 = vector.shape_cast %get3A_7 : vector<1x1024x128xf32> to vector<1024x128xf32>
    %get3A_9 = arith.constant 0 : index
    %get3A_10 = arith.constant 0 : index
    %get3A_11 = arith.constant 0 : index
    %get3A_12 = vector.load %arg4[%get3A_9, %get3A_10, %get3A_11] : memref<1x512x1024xi8, #tpu.memory_space<vmem>>, vector<1x512x1024xi8>
    %get3A_13 = vector.shape_cast %get3A_12 : vector<1x512x1024xi8> to vector<512x1024xi8>
    %convert_element_type3A = arith.sitofp %get3A_13 : vector<512x1024xi8> to vector<512x1024xf32>
    %sub3A = arith.constant 1.000000e+00 : f32
    %sub3A_14 = vector.broadcast %sub3A : f32 to vector<512x1024xf32>
    %sub3A_15 = arith.subf %convert_element_type3A, %sub3A_14 : vector<512x1024xf32>
    %mul3A = arith.constant 1.000000e+09 : f32
    %mul3A_16 = vector.broadcast %mul3A : f32 to vector<512x1024xf32>
    %mul3A_17 = arith.mulf %sub3A_15, %mul3A_16 : vector<512x1024xf32>
    %get3A_18 = arith.constant 0 : index
    %get3A_19 = arith.constant 0 : index
    %get3A_20 = arith.constant 0 : index
    %get3A_21 = vector.load %arg5[%get3A_18, %get3A_19, %get3A_20] : memref<1x512x1024xi32, #tpu.memory_space<vmem>>, vector<1x512x1024xi32>
    %get3A_22 = vector.shape_cast %get3A_21 : vector<1x512x1024xi32> to vector<512x1024xi32>
    %get3A_23 = arith.constant 0 : index
    %get3A_24 = arith.constant 0 : index
    %get3A_25 = vector.load %arg8[%get3A_23, %get3A_24] : memref<128x128xf32, #tpu.memory_space<vmem>>, vector<128x128xf32>
    %get3A_26 = arith.constant 0 : index
    %get3A_27 = arith.constant 0 : index
    %get3A_28 = vector.load %arg7[%get3A_26, %get3A_27] : memref<128x128xf32, #tpu.memory_space<vmem>>, vector<128x128xf32>
    %dot_general3A = arith.constant dense<0.000000e+00> : vector<512x128xf32>
    %dot_general3A_29 = tpu.matmul %get3A_3, %get3A_28, %dot_general3A {dimension_numbers = #tpu.dot_dimension_numbers<[1], [0], [0], [1], [0, 0, 1, 1], [], []>, transpose_lhs_hint = false} : vector<512x128xf32>, vector<128x128xf32>, vector<512x128xf32> -> vector<512x128xf32>
    %mul3A_30 = arith.constant 2.500000e-01 : f32
    %mul3A_31 = vector.broadcast %mul3A_30 : f32 to vector<512x128xf32>
    %mul3A_32 = arith.mulf %dot_general3A_29, %mul3A_31 : vector<512x128xf32>
    %dot_general3A_33 = arith.constant dense<0.000000e+00> : vector<1024x128xf32>
    %dot_general3A_34 = tpu.matmul %get3A_8, %get3A_25, %dot_general3A_33 {dimension_numbers = #tpu.dot_dimension_numbers<[1], [0], [0], [1], [0, 0, 1, 1], [], []>, transpose_lhs_hint = false} : vector<1024x128xf32>, vector<128x128xf32>, vector<1024x128xf32> -> vector<1024x128xf32>
    %get3A_35 = arith.constant 0 : index
    %get3A_36 = arith.constant 0 : index
    %get3A_37 = vector.load %arg9[%get3A_35, %get3A_36] : memref<128x128xf32, #tpu.memory_space<vmem>>, vector<128x128xf32>
    %dot_general3A_38 = arith.constant dense<0.000000e+00> : vector<1024x128xf32>
    %dot_general3A_39 = tpu.matmul %get3A_8, %get3A_37, %dot_general3A_38 {dimension_numbers = #tpu.dot_dimension_numbers<[1], [0], [0], [1], [0, 0, 1, 1], [], []>, transpose_lhs_hint = false} : vector<1024x128xf32>, vector<128x128xf32>, vector<1024x128xf32> -> vector<1024x128xf32>
    %get3A_40 = arith.constant 0 : index
    %get3A_41 = arith.constant 0 : index
    %get3A_42 = vector.load %arg6[%get3A_40, %get3A_41] : memref<32x128xf32, #tpu.memory_space<vmem>>, vector<32x128xf32>
    %dot_general3A_43 = arith.constant dense<0.000000e+00> : vector<32x128xf32>
    %dot_general3A_44 = tpu.matmul %get3A_42, %get3A_25, %dot_general3A_43 {dimension_numbers = #tpu.dot_dimension_numbers<[1], [0], [0], [1], [0, 0, 1, 1], [], []>, transpose_lhs_hint = false} : vector<32x128xf32>, vector<128x128xf32>, vector<32x128xf32> -> vector<32x128xf32>
    %convert_element_type3A_45 = arith.truncf %dot_general3A_39 : vector<1024x128xf32> to vector<1024x128xbf16>
    %slice3A = vector.extract_strided_slice %mul3A_32 {offsets = [0, 0], sizes = [512, 16], strides = [1, 1]} : vector<512x128xf32> to vector<512x16xf32>
    %slice3A_46 = vector.extract_strided_slice %dot_general3A_34 {offsets = [0, 0], sizes = [1024, 16], strides = [1, 1]} : vector<1024x128xf32> to vector<1024x16xf32>
    %dot_general3A_47 = arith.constant dense<0.000000e+00> : vector<512x1024xf32>
    %dot_general3A_48 = tpu.matmul %slice3A, %slice3A_46, %dot_general3A_47 {dimension_numbers = #tpu.dot_dimension_numbers<[1], [1], [0], [0], [0, 0, 1, 0], [], []>, transpose_lhs_hint = false} : vector<512x16xf32>, vector<1024x16xf32>, vector<512x1024xf32> -> vector<512x1024xf32>
    %slice3A_49 = vector.extract_strided_slice %dot_general3A_44 {offsets = [0, 0], sizes = [32, 16], strides = [1, 1]} : vector<32x128xf32> to vector<32x16xf32>
    %dot_general3A_50 = arith.constant dense<0.000000e+00> : vector<512x32xf32>
    %dot_general3A_51 = tpu.matmul %slice3A, %slice3A_49, %dot_general3A_50 {dimension_numbers = #tpu.dot_dimension_numbers<[1], [1], [0], [0], [0, 0, 1, 0], [], []>, transpose_lhs_hint = false} : vector<512x16xf32>, vector<32x16xf32>, vector<512x32xf32> -> vector<512x32xf32>
    %lt3A = arith.constant 0 : i32
    %lt3A_52 = vector.broadcast %lt3A : i32 to vector<512x1024xi32>
    %lt3A_53 = arith.cmpi slt, %get3A_22, %lt3A_52 : vector<512x1024xi32>
    %add3A = arith.constant 32 : i32
    %add3A_54 = vector.broadcast %add3A : i32 to vector<512x1024xi32>
    %add3A_55 = arith.addi %get3A_22, %add3A_54 : vector<512x1024xi32>
    %select_n3A = arith.select %lt3A_53, %add3A_55, %get3A_22 : vector<512x1024xi1>, vector<512x1024xi32>
    %reshape3A = vector.shape_cast %select_n3A : vector<512x1024xi32> to vector<512x1024x1xi32>
    %gather3A = vector.shape_cast %reshape3A : vector<512x1024x1xi32> to vector<512x1024xi32>
    %gather3A_56 = tpu.dynamic_gather %dot_general3A_51[%gather3A] in [1] : vector<512x32xf32>, vector<512x1024xi32> -> vector<512x1024xf32>
    %add3A_57 = arith.addf %dot_general3A_48, %gather3A_56 : vector<512x1024xf32>
    %add3A_58 = arith.addf %add3A_57, %mul3A_17 : vector<512x1024xf32>
    %slice3A_59 = vector.extract_strided_slice %mul3A_32 {offsets = [0, 16], sizes = [512, 16], strides = [1, 1]} : vector<512x128xf32> to vector<512x16xf32>
    %slice3A_60 = vector.extract_strided_slice %dot_general3A_34 {offsets = [0, 16], sizes = [1024, 16], strides = [1, 1]} : vector<1024x128xf32> to vector<1024x16xf32>
    %dot_general3A_61 = arith.constant dense<0.000000e+00> : vector<512x1024xf32>
    %dot_general3A_62 = tpu.matmul %slice3A_59, %slice3A_60, %dot_general3A_61 {dimension_numbers = #tpu.dot_dimension_numbers<[1], [1], [0], [0], [0, 0, 1, 0], [], []>, transpose_lhs_hint = false} : vector<512x16xf32>, vector<1024x16xf32>, vector<512x1024xf32> -> vector<512x1024xf32>
    %slice3A_63 = vector.extract_strided_slice %dot_general3A_44 {offsets = [0, 16], sizes = [32, 16], strides = [1, 1]} : vector<32x128xf32> to vector<32x16xf32>
    %dot_general3A_64 = arith.constant dense<0.000000e+00> : vector<512x32xf32>
    %dot_general3A_65 = tpu.matmul %slice3A_59, %slice3A_63, %dot_general3A_64 {dimension_numbers = #tpu.dot_dimension_numbers<[1], [1], [0], [0], [0, 0, 1, 0], [], []>, transpose_lhs_hint = false} : vector<512x16xf32>, vector<32x16xf32>, vector<512x32xf32> -> vector<512x32xf32>
    %lt3A_66 = arith.constant 0 : i32
    %lt3A_67 = vector.broadcast %lt3A_66 : i32 to vector<512x1024xi32>
    %lt3A_68 = arith.cmpi slt, %get3A_22, %lt3A_67 : vector<512x1024xi32>
    %add3A_69 = arith.constant 32 : i32
    %add3A_70 = vector.broadcast %add3A_69 : i32 to vector<512x1024xi32>
    %add3A_71 = arith.addi %get3A_22, %add3A_70 : vector<512x1024xi32>
    %select_n3A_72 = arith.select %lt3A_68, %add3A_71, %get3A_22 : vector<512x1024xi1>, vector<512x1024xi32>
    %reshape3A_73 = vector.shape_cast %select_n3A_72 : vector<512x1024xi32> to vector<512x1024x1xi32>
    %gather3A_74 = vector.shape_cast %reshape3A_73 : vector<512x1024x1xi32> to vector<512x1024xi32>
    %gather3A_75 = tpu.dynamic_gather %dot_general3A_65[%gather3A_74] in [1] : vector<512x32xf32>, vector<512x1024xi32> -> vector<512x1024xf32>
    %add3A_76 = arith.addf %dot_general3A_62, %gather3A_75 : vector<512x1024xf32>
    %add3A_77 = arith.addf %add3A_76, %mul3A_17 : vector<512x1024xf32>
    %slice3A_78 = vector.extract_strided_slice %convert_element_type3A_45 {offsets = [0, 0], sizes = [1024, 16], strides = [1, 1]} : vector<1024x128xbf16> to vector<1024x16xbf16>
    %reduce_max3A = arith.constant dense<0xFF800000> : vector<512xf32>
    %reduce_max3A_79 = vector.multi_reduction <maximumf>, %add3A_58, %reduce_max3A [1] : vector<512x1024xf32> to vector<512xf32>
    %broadcast_in_dim3A = vector.shape_cast %reduce_max3A_79 : vector<512xf32> to vector<512x1xf32>
    %sub3A_80 = vector.broadcast %broadcast_in_dim3A : vector<512x1xf32> to vector<512x1024xf32>
    %sub3A_81 = arith.subf %add3A_58, %sub3A_80 : vector<512x1024xf32>
    %exp3A = math.exp %sub3A_81 : vector<512x1024xf32>
    %reduce_sum3A = arith.constant dense<0.000000e+00> : vector<512xf32>
    %reduce_sum3A_82 = vector.multi_reduction <add>, %exp3A, %reduce_sum3A [1] : vector<512x1024xf32> to vector<512xf32>
    %broadcast_in_dim3A_83 = vector.shape_cast %reduce_sum3A_82 : vector<512xf32> to vector<512x1xf32>
    %div3A = arith.constant 1.000000e+00 : f32
    %div3A_84 = vector.broadcast %div3A : f32 to vector<512x1xf32>
    %div3A_85 = arith.divf %div3A_84, %broadcast_in_dim3A_83 : vector<512x1xf32>
    %convert_element_type3A_86 = arith.truncf %exp3A : vector<512x1024xf32> to vector<512x1024xbf16>
    %dot_general3A_87 = arith.constant dense<0.000000e+00> : vector<512x16xf32>
    %dot_general3A_88 = tpu.matmul %convert_element_type3A_86, %slice3A_78, %dot_general3A_87 {dimension_numbers = #tpu.dot_dimension_numbers<[1], [0], [0], [1], [0, 0, 1, 1], [], []>, transpose_lhs_hint = false} : vector<512x1024xbf16>, vector<1024x16xbf16>, vector<512x16xf32> -> vector<512x16xf32>
    %mul3A_89 = vector.broadcast %div3A_85 : vector<512x1xf32> to vector<512x16xf32>
    %mul3A_90 = arith.mulf %dot_general3A_88, %mul3A_89 : vector<512x16xf32>
    %slice3A_91 = vector.extract_strided_slice %mul3A_32 {offsets = [0, 32], sizes = [512, 16], strides = [1, 1]} : vector<512x128xf32> to vector<512x16xf32>
    %slice3A_92 = vector.extract_strided_slice %dot_general3A_34 {offsets = [0, 32], sizes = [1024, 16], strides = [1, 1]} : vector<1024x128xf32> to vector<1024x16xf32>
    %dot_general3A_93 = arith.constant dense<0.000000e+00> : vector<512x1024xf32>
    %dot_general3A_94 = tpu.matmul %slice3A_91, %slice3A_92, %dot_general3A_93 {dimension_numbers = #tpu.dot_dimension_numbers<[1], [1], [0], [0], [0, 0, 1, 0], [], []>, transpose_lhs_hint = false} : vector<512x16xf32>, vector<1024x16xf32>, vector<512x1024xf32> -> vector<512x1024xf32>
    %slice3A_95 = vector.extract_strided_slice %dot_general3A_44 {offsets = [0, 32], sizes = [32, 16], strides = [1, 1]} : vector<32x128xf32> to vector<32x16xf32>
    %dot_general3A_96 = arith.constant dense<0.000000e+00> : vector<512x32xf32>
    %dot_general3A_97 = tpu.matmul %slice3A_91, %slice3A_95, %dot_general3A_96 {dimension_numbers = #tpu.dot_dimension_numbers<[1], [1], [0], [0], [0, 0, 1, 0], [], []>, transpose_lhs_hint = false} : vector<512x16xf32>, vector<32x16xf32>, vector<512x32xf32> -> vector<512x32xf32>
    %lt3A_98 = arith.constant 0 : i32
    %lt3A_99 = vector.broadcast %lt3A_98 : i32 to vector<512x1024xi32>
    %lt3A_100 = arith.cmpi slt, %get3A_22, %lt3A_99 : vector<512x1024xi32>
    %add3A_101 = arith.constant 32 : i32
    %add3A_102 = vector.broadcast %add3A_101 : i32 to vector<512x1024xi32>
    %add3A_103 = arith.addi %get3A_22, %add3A_102 : vector<512x1024xi32>
    %select_n3A_104 = arith.select %lt3A_100, %add3A_103, %get3A_22 : vector<512x1024xi1>, vector<512x1024xi32>
    %reshape3A_105 = vector.shape_cast %select_n3A_104 : vector<512x1024xi32> to vector<512x1024x1xi32>
    %gather3A_106 = vector.shape_cast %reshape3A_105 : vector<512x1024x1xi32> to vector<512x1024xi32>
    %gather3A_107 = tpu.dynamic_gather %dot_general3A_97[%gather3A_106] in [1] : vector<512x32xf32>, vector<512x1024xi32> -> vector<512x1024xf32>
    %add3A_108 = arith.addf %dot_general3A_94, %gather3A_107 : vector<512x1024xf32>
    %add3A_109 = arith.addf %add3A_108, %mul3A_17 : vector<512x1024xf32>
    %slice3A_110 = vector.extract_strided_slice %convert_element_type3A_45 {offsets = [0, 16], sizes = [1024, 16], strides = [1, 1]} : vector<1024x128xbf16> to vector<1024x16xbf16>
    %reduce_max3A_111 = arith.constant dense<0xFF800000> : vector<512xf32>
    %reduce_max3A_112 = vector.multi_reduction <maximumf>, %add3A_77, %reduce_max3A_111 [1] : vector<512x1024xf32> to vector<512xf32>
    %broadcast_in_dim3A_113 = vector.shape_cast %reduce_max3A_112 : vector<512xf32> to vector<512x1xf32>
    %sub3A_114 = vector.broadcast %broadcast_in_dim3A_113 : vector<512x1xf32> to vector<512x1024xf32>
    %sub3A_115 = arith.subf %add3A_77, %sub3A_114 : vector<512x1024xf32>
    %exp3A_116 = math.exp %sub3A_115 : vector<512x1024xf32>
    %reduce_sum3A_117 = arith.constant dense<0.000000e+00> : vector<512xf32>
    %reduce_sum3A_118 = vector.multi_reduction <add>, %exp3A_116, %reduce_sum3A_117 [1] : vector<512x1024xf32> to vector<512xf32>
    %broadcast_in_dim3A_119 = vector.shape_cast %reduce_sum3A_118 : vector<512xf32> to vector<512x1xf32>
    %div3A_120 = arith.constant 1.000000e+00 : f32
    %div3A_121 = vector.broadcast %div3A_120 : f32 to vector<512x1xf32>
    %div3A_122 = arith.divf %div3A_121, %broadcast_in_dim3A_119 : vector<512x1xf32>
    %convert_element_type3A_123 = arith.truncf %exp3A_116 : vector<512x1024xf32> to vector<512x1024xbf16>
    %dot_general3A_124 = arith.constant dense<0.000000e+00> : vector<512x16xf32>
    %dot_general3A_125 = tpu.matmul %convert_element_type3A_123, %slice3A_110, %dot_general3A_124 {dimension_numbers = #tpu.dot_dimension_numbers<[1], [0], [0], [1], [0, 0, 1, 1], [], []>, transpose_lhs_hint = false} : vector<512x1024xbf16>, vector<1024x16xbf16>, vector<512x16xf32> -> vector<512x16xf32>
    %mul3A_126 = vector.broadcast %div3A_122 : vector<512x1xf32> to vector<512x16xf32>
    %mul3A_127 = arith.mulf %dot_general3A_125, %mul3A_126 : vector<512x16xf32>
    %slice3A_128 = vector.extract_strided_slice %mul3A_32 {offsets = [0, 48], sizes = [512, 16], strides = [1, 1]} : vector<512x128xf32> to vector<512x16xf32>
    %slice3A_129 = vector.extract_strided_slice %dot_general3A_34 {offsets = [0, 48], sizes = [1024, 16], strides = [1, 1]} : vector<1024x128xf32> to vector<1024x16xf32>
    %dot_general3A_130 = arith.constant dense<0.000000e+00> : vector<512x1024xf32>
    %dot_general3A_131 = tpu.matmul %slice3A_128, %slice3A_129, %dot_general3A_130 {dimension_numbers = #tpu.dot_dimension_numbers<[1], [1], [0], [0], [0, 0, 1, 0], [], []>, transpose_lhs_hint = false} : vector<512x16xf32>, vector<1024x16xf32>, vector<512x1024xf32> -> vector<512x1024xf32>
    %slice3A_132 = vector.extract_strided_slice %dot_general3A_44 {offsets = [0, 48], sizes = [32, 16], strides = [1, 1]} : vector<32x128xf32> to vector<32x16xf32>
    %dot_general3A_133 = arith.constant dense<0.000000e+00> : vector<512x32xf32>
    %dot_general3A_134 = tpu.matmul %slice3A_128, %slice3A_132, %dot_general3A_133 {dimension_numbers = #tpu.dot_dimension_numbers<[1], [1], [0], [0], [0, 0, 1, 0], [], []>, transpose_lhs_hint = false} : vector<512x16xf32>, vector<32x16xf32>, vector<512x32xf32> -> vector<512x32xf32>
    %lt3A_135 = arith.constant 0 : i32
    %lt3A_136 = vector.broadcast %lt3A_135 : i32 to vector<512x1024xi32>
    %lt3A_137 = arith.cmpi slt, %get3A_22, %lt3A_136 : vector<512x1024xi32>
    %add3A_138 = arith.constant 32 : i32
    %add3A_139 = vector.broadcast %add3A_138 : i32 to vector<512x1024xi32>
    %add3A_140 = arith.addi %get3A_22, %add3A_139 : vector<512x1024xi32>
    %select_n3A_141 = arith.select %lt3A_137, %add3A_140, %get3A_22 : vector<512x1024xi1>, vector<512x1024xi32>
    %reshape3A_142 = vector.shape_cast %select_n3A_141 : vector<512x1024xi32> to vector<512x1024x1xi32>
    %gather3A_143 = vector.shape_cast %reshape3A_142 : vector<512x1024x1xi32> to vector<512x1024xi32>
    %gather3A_144 = tpu.dynamic_gather %dot_general3A_134[%gather3A_143] in [1] : vector<512x32xf32>, vector<512x1024xi32> -> vector<512x1024xf32>
    %add3A_145 = arith.addf %dot_general3A_131, %gather3A_144 : vector<512x1024xf32>
    %add3A_146 = arith.addf %add3A_145, %mul3A_17 : vector<512x1024xf32>
    %slice3A_147 = vector.extract_strided_slice %convert_element_type3A_45 {offsets = [0, 32], sizes = [1024, 16], strides = [1, 1]} : vector<1024x128xbf16> to vector<1024x16xbf16>
    %reduce_max3A_148 = arith.constant dense<0xFF800000> : vector<512xf32>
    %reduce_max3A_149 = vector.multi_reduction <maximumf>, %add3A_109, %reduce_max3A_148 [1] : vector<512x1024xf32> to vector<512xf32>
    %broadcast_in_dim3A_150 = vector.shape_cast %reduce_max3A_149 : vector<512xf32> to vector<512x1xf32>
    %sub3A_151 = vector.broadcast %broadcast_in_dim3A_150 : vector<512x1xf32> to vector<512x1024xf32>
    %sub3A_152 = arith.subf %add3A_109, %sub3A_151 : vector<512x1024xf32>
    %exp3A_153 = math.exp %sub3A_152 : vector<512x1024xf32>
    %reduce_sum3A_154 = arith.constant dense<0.000000e+00> : vector<512xf32>
    %reduce_sum3A_155 = vector.multi_reduction <add>, %exp3A_153, %reduce_sum3A_154 [1] : vector<512x1024xf32> to vector<512xf32>
    %broadcast_in_dim3A_156 = vector.shape_cast %reduce_sum3A_155 : vector<512xf32> to vector<512x1xf32>
    %div3A_157 = arith.constant 1.000000e+00 : f32
    %div3A_158 = vector.broadcast %div3A_157 : f32 to vector<512x1xf32>
    %div3A_159 = arith.divf %div3A_158, %broadcast_in_dim3A_156 : vector<512x1xf32>
    %convert_element_type3A_160 = arith.truncf %exp3A_153 : vector<512x1024xf32> to vector<512x1024xbf16>
    %dot_general3A_161 = arith.constant dense<0.000000e+00> : vector<512x16xf32>
    %dot_general3A_162 = tpu.matmul %convert_element_type3A_160, %slice3A_147, %dot_general3A_161 {dimension_numbers = #tpu.dot_dimension_numbers<[1], [0], [0], [1], [0, 0, 1, 1], [], []>, transpose_lhs_hint = false} : vector<512x1024xbf16>, vector<1024x16xbf16>, vector<512x16xf32> -> vector<512x16xf32>
    %mul3A_163 = vector.broadcast %div3A_159 : vector<512x1xf32> to vector<512x16xf32>
    %mul3A_164 = arith.mulf %dot_general3A_162, %mul3A_163 : vector<512x16xf32>
    %slice3A_165 = vector.extract_strided_slice %mul3A_32 {offsets = [0, 64], sizes = [512, 16], strides = [1, 1]} : vector<512x128xf32> to vector<512x16xf32>
    %slice3A_166 = vector.extract_strided_slice %dot_general3A_34 {offsets = [0, 64], sizes = [1024, 16], strides = [1, 1]} : vector<1024x128xf32> to vector<1024x16xf32>
    %dot_general3A_167 = arith.constant dense<0.000000e+00> : vector<512x1024xf32>
    %dot_general3A_168 = tpu.matmul %slice3A_165, %slice3A_166, %dot_general3A_167 {dimension_numbers = #tpu.dot_dimension_numbers<[1], [1], [0], [0], [0, 0, 1, 0], [], []>, transpose_lhs_hint = false} : vector<512x16xf32>, vector<1024x16xf32>, vector<512x1024xf32> -> vector<512x1024xf32>
    %slice3A_169 = vector.extract_strided_slice %dot_general3A_44 {offsets = [0, 64], sizes = [32, 16], strides = [1, 1]} : vector<32x128xf32> to vector<32x16xf32>
    %dot_general3A_170 = arith.constant dense<0.000000e+00> : vector<512x32xf32>
    %dot_general3A_171 = tpu.matmul %slice3A_165, %slice3A_169, %dot_general3A_170 {dimension_numbers = #tpu.dot_dimension_numbers<[1], [1], [0], [0], [0, 0, 1, 0], [], []>, transpose_lhs_hint = false} : vector<512x16xf32>, vector<32x16xf32>, vector<512x32xf32> -> vector<512x32xf32>
    %lt3A_172 = arith.constant 0 : i32
    %lt3A_173 = vector.broadcast %lt3A_172 : i32 to vector<512x1024xi32>
    %lt3A_174 = arith.cmpi slt, %get3A_22, %lt3A_173 : vector<512x1024xi32>
    %add3A_175 = arith.constant 32 : i32
    %add3A_176 = vector.broadcast %add3A_175 : i32 to vector<512x1024xi32>
    %add3A_177 = arith.addi %get3A_22, %add3A_176 : vector<512x1024xi32>
    %select_n3A_178 = arith.select %lt3A_174, %add3A_177, %get3A_22 : vector<512x1024xi1>, vector<512x1024xi32>
    %reshape3A_179 = vector.shape_cast %select_n3A_178 : vector<512x1024xi32> to vector<512x1024x1xi32>
    %gather3A_180 = vector.shape_cast %reshape3A_179 : vector<512x1024x1xi32> to vector<512x1024xi32>
    %gather3A_181 = tpu.dynamic_gather %dot_general3A_171[%gather3A_180] in [1] : vector<512x32xf32>, vector<512x1024xi32> -> vector<512x1024xf32>
    %add3A_182 = arith.addf %dot_general3A_168, %gather3A_181 : vector<512x1024xf32>
    %add3A_183 = arith.addf %add3A_182, %mul3A_17 : vector<512x1024xf32>
    %slice3A_184 = vector.extract_strided_slice %convert_element_type3A_45 {offsets = [0, 48], sizes = [1024, 16], strides = [1, 1]} : vector<1024x128xbf16> to vector<1024x16xbf16>
    %reduce_max3A_185 = arith.constant dense<0xFF800000> : vector<512xf32>
    %reduce_max3A_186 = vector.multi_reduction <maximumf>, %add3A_146, %reduce_max3A_185 [1] : vector<512x1024xf32> to vector<512xf32>
    %broadcast_in_dim3A_187 = vector.shape_cast %reduce_max3A_186 : vector<512xf32> to vector<512x1xf32>
    %sub3A_188 = vector.broadcast %broadcast_in_dim3A_187 : vector<512x1xf32> to vector<512x1024xf32>
    %sub3A_189 = arith.subf %add3A_146, %sub3A_188 : vector<512x1024xf32>
    %exp3A_190 = math.exp %sub3A_189 : vector<512x1024xf32>
    %reduce_sum3A_191 = arith.constant dense<0.000000e+00> : vector<512xf32>
    %reduce_sum3A_192 = vector.multi_reduction <add>, %exp3A_190, %reduce_sum3A_191 [1] : vector<512x1024xf32> to vector<512xf32>
    %broadcast_in_dim3A_193 = vector.shape_cast %reduce_sum3A_192 : vector<512xf32> to vector<512x1xf32>
    %div3A_194 = arith.constant 1.000000e+00 : f32
    %div3A_195 = vector.broadcast %div3A_194 : f32 to vector<512x1xf32>
    %div3A_196 = arith.divf %div3A_195, %broadcast_in_dim3A_193 : vector<512x1xf32>
    %convert_element_type3A_197 = arith.truncf %exp3A_190 : vector<512x1024xf32> to vector<512x1024xbf16>
    %dot_general3A_198 = arith.constant dense<0.000000e+00> : vector<512x16xf32>
    %dot_general3A_199 = tpu.matmul %convert_element_type3A_197, %slice3A_184, %dot_general3A_198 {dimension_numbers = #tpu.dot_dimension_numbers<[1], [0], [0], [1], [0, 0, 1, 1], [], []>, transpose_lhs_hint = false} : vector<512x1024xbf16>, vector<1024x16xbf16>, vector<512x16xf32> -> vector<512x16xf32>
    %mul3A_200 = vector.broadcast %div3A_196 : vector<512x1xf32> to vector<512x16xf32>
    %mul3A_201 = arith.mulf %dot_general3A_199, %mul3A_200 : vector<512x16xf32>
    %slice3A_202 = vector.extract_strided_slice %mul3A_32 {offsets = [0, 80], sizes = [512, 16], strides = [1, 1]} : vector<512x128xf32> to vector<512x16xf32>
    %slice3A_203 = vector.extract_strided_slice %dot_general3A_34 {offsets = [0, 80], sizes = [1024, 16], strides = [1, 1]} : vector<1024x128xf32> to vector<1024x16xf32>
    %dot_general3A_204 = arith.constant dense<0.000000e+00> : vector<512x1024xf32>
    %dot_general3A_205 = tpu.matmul %slice3A_202, %slice3A_203, %dot_general3A_204 {dimension_numbers = #tpu.dot_dimension_numbers<[1], [1], [0], [0], [0, 0, 1, 0], [], []>, transpose_lhs_hint = false} : vector<512x16xf32>, vector<1024x16xf32>, vector<512x1024xf32> -> vector<512x1024xf32>
    %slice3A_206 = vector.extract_strided_slice %dot_general3A_44 {offsets = [0, 80], sizes = [32, 16], strides = [1, 1]} : vector<32x128xf32> to vector<32x16xf32>
    %dot_general3A_207 = arith.constant dense<0.000000e+00> : vector<512x32xf32>
    %dot_general3A_208 = tpu.matmul %slice3A_202, %slice3A_206, %dot_general3A_207 {dimension_numbers = #tpu.dot_dimension_numbers<[1], [1], [0], [0], [0, 0, 1, 0], [], []>, transpose_lhs_hint = false} : vector<512x16xf32>, vector<32x16xf32>, vector<512x32xf32> -> vector<512x32xf32>
    %lt3A_209 = arith.constant 0 : i32
    %lt3A_210 = vector.broadcast %lt3A_209 : i32 to vector<512x1024xi32>
    %lt3A_211 = arith.cmpi slt, %get3A_22, %lt3A_210 : vector<512x1024xi32>
    %add3A_212 = arith.constant 32 : i32
    %add3A_213 = vector.broadcast %add3A_212 : i32 to vector<512x1024xi32>
    %add3A_214 = arith.addi %get3A_22, %add3A_213 : vector<512x1024xi32>
    %select_n3A_215 = arith.select %lt3A_211, %add3A_214, %get3A_22 : vector<512x1024xi1>, vector<512x1024xi32>
    %reshape3A_216 = vector.shape_cast %select_n3A_215 : vector<512x1024xi32> to vector<512x1024x1xi32>
    %gather3A_217 = vector.shape_cast %reshape3A_216 : vector<512x1024x1xi32> to vector<512x1024xi32>
    %gather3A_218 = tpu.dynamic_gather %dot_general3A_208[%gather3A_217] in [1] : vector<512x32xf32>, vector<512x1024xi32> -> vector<512x1024xf32>
    %add3A_219 = arith.addf %dot_general3A_205, %gather3A_218 : vector<512x1024xf32>
    %add3A_220 = arith.addf %add3A_219, %mul3A_17 : vector<512x1024xf32>
    %slice3A_221 = vector.extract_strided_slice %convert_element_type3A_45 {offsets = [0, 64], sizes = [1024, 16], strides = [1, 1]} : vector<1024x128xbf16> to vector<1024x16xbf16>
    %reduce_max3A_222 = arith.constant dense<0xFF800000> : vector<512xf32>
    %reduce_max3A_223 = vector.multi_reduction <maximumf>, %add3A_183, %reduce_max3A_222 [1] : vector<512x1024xf32> to vector<512xf32>
    %broadcast_in_dim3A_224 = vector.shape_cast %reduce_max3A_223 : vector<512xf32> to vector<512x1xf32>
    %sub3A_225 = vector.broadcast %broadcast_in_dim3A_224 : vector<512x1xf32> to vector<512x1024xf32>
    %sub3A_226 = arith.subf %add3A_183, %sub3A_225 : vector<512x1024xf32>
    %exp3A_227 = math.exp %sub3A_226 : vector<512x1024xf32>
    %reduce_sum3A_228 = arith.constant dense<0.000000e+00> : vector<512xf32>
    %reduce_sum3A_229 = vector.multi_reduction <add>, %exp3A_227, %reduce_sum3A_228 [1] : vector<512x1024xf32> to vector<512xf32>
    %broadcast_in_dim3A_230 = vector.shape_cast %reduce_sum3A_229 : vector<512xf32> to vector<512x1xf32>
    %div3A_231 = arith.constant 1.000000e+00 : f32
    %div3A_232 = vector.broadcast %div3A_231 : f32 to vector<512x1xf32>
    %div3A_233 = arith.divf %div3A_232, %broadcast_in_dim3A_230 : vector<512x1xf32>
    %convert_element_type3A_234 = arith.truncf %exp3A_227 : vector<512x1024xf32> to vector<512x1024xbf16>
    %dot_general3A_235 = arith.constant dense<0.000000e+00> : vector<512x16xf32>
    %dot_general3A_236 = tpu.matmul %convert_element_type3A_234, %slice3A_221, %dot_general3A_235 {dimension_numbers = #tpu.dot_dimension_numbers<[1], [0], [0], [1], [0, 0, 1, 1], [], []>, transpose_lhs_hint = false} : vector<512x1024xbf16>, vector<1024x16xbf16>, vector<512x16xf32> -> vector<512x16xf32>
    %mul3A_237 = vector.broadcast %div3A_233 : vector<512x1xf32> to vector<512x16xf32>
    %mul3A_238 = arith.mulf %dot_general3A_236, %mul3A_237 : vector<512x16xf32>
    %slice3A_239 = vector.extract_strided_slice %mul3A_32 {offsets = [0, 96], sizes = [512, 16], strides = [1, 1]} : vector<512x128xf32> to vector<512x16xf32>
    %slice3A_240 = vector.extract_strided_slice %dot_general3A_34 {offsets = [0, 96], sizes = [1024, 16], strides = [1, 1]} : vector<1024x128xf32> to vector<1024x16xf32>
    %dot_general3A_241 = arith.constant dense<0.000000e+00> : vector<512x1024xf32>
    %dot_general3A_242 = tpu.matmul %slice3A_239, %slice3A_240, %dot_general3A_241 {dimension_numbers = #tpu.dot_dimension_numbers<[1], [1], [0], [0], [0, 0, 1, 0], [], []>, transpose_lhs_hint = false} : vector<512x16xf32>, vector<1024x16xf32>, vector<512x1024xf32> -> vector<512x1024xf32>
    %slice3A_243 = vector.extract_strided_slice %dot_general3A_44 {offsets = [0, 96], sizes = [32, 16], strides = [1, 1]} : vector<32x128xf32> to vector<32x16xf32>
    %dot_general3A_244 = arith.constant dense<0.000000e+00> : vector<512x32xf32>
    %dot_general3A_245 = tpu.matmul %slice3A_239, %slice3A_243, %dot_general3A_244 {dimension_numbers = #tpu.dot_dimension_numbers<[1], [1], [0], [0], [0, 0, 1, 0], [], []>, transpose_lhs_hint = false} : vector<512x16xf32>, vector<32x16xf32>, vector<512x32xf32> -> vector<512x32xf32>
    %lt3A_246 = arith.constant 0 : i32
    %lt3A_247 = vector.broadcast %lt3A_246 : i32 to vector<512x1024xi32>
    %lt3A_248 = arith.cmpi slt, %get3A_22, %lt3A_247 : vector<512x1024xi32>
    %add3A_249 = arith.constant 32 : i32
    %add3A_250 = vector.broadcast %add3A_249 : i32 to vector<512x1024xi32>
    %add3A_251 = arith.addi %get3A_22, %add3A_250 : vector<512x1024xi32>
    %select_n3A_252 = arith.select %lt3A_248, %add3A_251, %get3A_22 : vector<512x1024xi1>, vector<512x1024xi32>
    %reshape3A_253 = vector.shape_cast %select_n3A_252 : vector<512x1024xi32> to vector<512x1024x1xi32>
    %gather3A_254 = vector.shape_cast %reshape3A_253 : vector<512x1024x1xi32> to vector<512x1024xi32>
    %gather3A_255 = tpu.dynamic_gather %dot_general3A_245[%gather3A_254] in [1] : vector<512x32xf32>, vector<512x1024xi32> -> vector<512x1024xf32>
    %add3A_256 = arith.addf %dot_general3A_242, %gather3A_255 : vector<512x1024xf32>
    %add3A_257 = arith.addf %add3A_256, %mul3A_17 : vector<512x1024xf32>
    %slice3A_258 = vector.extract_strided_slice %convert_element_type3A_45 {offsets = [0, 80], sizes = [1024, 16], strides = [1, 1]} : vector<1024x128xbf16> to vector<1024x16xbf16>
    %reduce_max3A_259 = arith.constant dense<0xFF800000> : vector<512xf32>
    %reduce_max3A_260 = vector.multi_reduction <maximumf>, %add3A_220, %reduce_max3A_259 [1] : vector<512x1024xf32> to vector<512xf32>
    %broadcast_in_dim3A_261 = vector.shape_cast %reduce_max3A_260 : vector<512xf32> to vector<512x1xf32>
    %sub3A_262 = vector.broadcast %broadcast_in_dim3A_261 : vector<512x1xf32> to vector<512x1024xf32>
    %sub3A_263 = arith.subf %add3A_220, %sub3A_262 : vector<512x1024xf32>
    %exp3A_264 = math.exp %sub3A_263 : vector<512x1024xf32>
    %reduce_sum3A_265 = arith.constant dense<0.000000e+00> : vector<512xf32>
    %reduce_sum3A_266 = vector.multi_reduction <add>, %exp3A_264, %reduce_sum3A_265 [1] : vector<512x1024xf32> to vector<512xf32>
    %broadcast_in_dim3A_267 = vector.shape_cast %reduce_sum3A_266 : vector<512xf32> to vector<512x1xf32>
    %div3A_268 = arith.constant 1.000000e+00 : f32
    %div3A_269 = vector.broadcast %div3A_268 : f32 to vector<512x1xf32>
    %div3A_270 = arith.divf %div3A_269, %broadcast_in_dim3A_267 : vector<512x1xf32>
    %convert_element_type3A_271 = arith.truncf %exp3A_264 : vector<512x1024xf32> to vector<512x1024xbf16>
    %dot_general3A_272 = arith.constant dense<0.000000e+00> : vector<512x16xf32>
    %dot_general3A_273 = tpu.matmul %convert_element_type3A_271, %slice3A_258, %dot_general3A_272 {dimension_numbers = #tpu.dot_dimension_numbers<[1], [0], [0], [1], [0, 0, 1, 1], [], []>, transpose_lhs_hint = false} : vector<512x1024xbf16>, vector<1024x16xbf16>, vector<512x16xf32> -> vector<512x16xf32>
    %mul3A_274 = vector.broadcast %div3A_270 : vector<512x1xf32> to vector<512x16xf32>
    %mul3A_275 = arith.mulf %dot_general3A_273, %mul3A_274 : vector<512x16xf32>
    %slice3A_276 = vector.extract_strided_slice %mul3A_32 {offsets = [0, 112], sizes = [512, 16], strides = [1, 1]} : vector<512x128xf32> to vector<512x16xf32>
    %slice3A_277 = vector.extract_strided_slice %dot_general3A_34 {offsets = [0, 112], sizes = [1024, 16], strides = [1, 1]} : vector<1024x128xf32> to vector<1024x16xf32>
    %dot_general3A_278 = arith.constant dense<0.000000e+00> : vector<512x1024xf32>
    %dot_general3A_279 = tpu.matmul %slice3A_276, %slice3A_277, %dot_general3A_278 {dimension_numbers = #tpu.dot_dimension_numbers<[1], [1], [0], [0], [0, 0, 1, 0], [], []>, transpose_lhs_hint = false} : vector<512x16xf32>, vector<1024x16xf32>, vector<512x1024xf32> -> vector<512x1024xf32>
    %slice3A_280 = vector.extract_strided_slice %dot_general3A_44 {offsets = [0, 112], sizes = [32, 16], strides = [1, 1]} : vector<32x128xf32> to vector<32x16xf32>
    %dot_general3A_281 = arith.constant dense<0.000000e+00> : vector<512x32xf32>
    %dot_general3A_282 = tpu.matmul %slice3A_276, %slice3A_280, %dot_general3A_281 {dimension_numbers = #tpu.dot_dimension_numbers<[1], [1], [0], [0], [0, 0, 1, 0], [], []>, transpose_lhs_hint = false} : vector<512x16xf32>, vector<32x16xf32>, vector<512x32xf32> -> vector<512x32xf32>
    %lt3A_283 = arith.constant 0 : i32
    %lt3A_284 = vector.broadcast %lt3A_283 : i32 to vector<512x1024xi32>
    %lt3A_285 = arith.cmpi slt, %get3A_22, %lt3A_284 : vector<512x1024xi32>
    %add3A_286 = arith.constant 32 : i32
    %add3A_287 = vector.broadcast %add3A_286 : i32 to vector<512x1024xi32>
    %add3A_288 = arith.addi %get3A_22, %add3A_287 : vector<512x1024xi32>
    %select_n3A_289 = arith.select %lt3A_285, %add3A_288, %get3A_22 : vector<512x1024xi1>, vector<512x1024xi32>
    %reshape3A_290 = vector.shape_cast %select_n3A_289 : vector<512x1024xi32> to vector<512x1024x1xi32>
    %gather3A_291 = vector.shape_cast %reshape3A_290 : vector<512x1024x1xi32> to vector<512x1024xi32>
    %gather3A_292 = tpu.dynamic_gather %dot_general3A_282[%gather3A_291] in [1] : vector<512x32xf32>, vector<512x1024xi32> -> vector<512x1024xf32>
    %add3A_293 = arith.addf %dot_general3A_279, %gather3A_292 : vector<512x1024xf32>
    %add3A_294 = arith.addf %add3A_293, %mul3A_17 : vector<512x1024xf32>
    %slice3A_295 = vector.extract_strided_slice %convert_element_type3A_45 {offsets = [0, 96], sizes = [1024, 16], strides = [1, 1]} : vector<1024x128xbf16> to vector<1024x16xbf16>
    %reduce_max3A_296 = arith.constant dense<0xFF800000> : vector<512xf32>
    %reduce_max3A_297 = vector.multi_reduction <maximumf>, %add3A_257, %reduce_max3A_296 [1] : vector<512x1024xf32> to vector<512xf32>
    %broadcast_in_dim3A_298 = vector.shape_cast %reduce_max3A_297 : vector<512xf32> to vector<512x1xf32>
    %sub3A_299 = vector.broadcast %broadcast_in_dim3A_298 : vector<512x1xf32> to vector<512x1024xf32>
    %sub3A_300 = arith.subf %add3A_257, %sub3A_299 : vector<512x1024xf32>
    %exp3A_301 = math.exp %sub3A_300 : vector<512x1024xf32>
    %reduce_sum3A_302 = arith.constant dense<0.000000e+00> : vector<512xf32>
    %reduce_sum3A_303 = vector.multi_reduction <add>, %exp3A_301, %reduce_sum3A_302 [1] : vector<512x1024xf32> to vector<512xf32>
    %broadcast_in_dim3A_304 = vector.shape_cast %reduce_sum3A_303 : vector<512xf32> to vector<512x1xf32>
    %div3A_305 = arith.constant 1.000000e+00 : f32
    %div3A_306 = vector.broadcast %div3A_305 : f32 to vector<512x1xf32>
    %div3A_307 = arith.divf %div3A_306, %broadcast_in_dim3A_304 : vector<512x1xf32>
    %convert_element_type3A_308 = arith.truncf %exp3A_301 : vector<512x1024xf32> to vector<512x1024xbf16>
    %dot_general3A_309 = arith.constant dense<0.000000e+00> : vector<512x16xf32>
    %dot_general3A_310 = tpu.matmul %convert_element_type3A_308, %slice3A_295, %dot_general3A_309 {dimension_numbers = #tpu.dot_dimension_numbers<[1], [0], [0], [1], [0, 0, 1, 1], [], []>, transpose_lhs_hint = false} : vector<512x1024xbf16>, vector<1024x16xbf16>, vector<512x16xf32> -> vector<512x16xf32>
    %mul3A_311 = vector.broadcast %div3A_307 : vector<512x1xf32> to vector<512x16xf32>
    %mul3A_312 = arith.mulf %dot_general3A_310, %mul3A_311 : vector<512x16xf32>
    %slice3A_313 = vector.extract_strided_slice %convert_element_type3A_45 {offsets = [0, 112], sizes = [1024, 16], strides = [1, 1]} : vector<1024x128xbf16> to vector<1024x16xbf16>
    %reduce_max3A_314 = arith.constant dense<0xFF800000> : vector<512xf32>
    %reduce_max3A_315 = vector.multi_reduction <maximumf>, %add3A_294, %reduce_max3A_314 [1] : vector<512x1024xf32> to vector<512xf32>
    %broadcast_in_dim3A_316 = vector.shape_cast %reduce_max3A_315 : vector<512xf32> to vector<512x1xf32>
    %sub3A_317 = vector.broadcast %broadcast_in_dim3A_316 : vector<512x1xf32> to vector<512x1024xf32>
    %sub3A_318 = arith.subf %add3A_294, %sub3A_317 : vector<512x1024xf32>
    %exp3A_319 = math.exp %sub3A_318 : vector<512x1024xf32>
    %reduce_sum3A_320 = arith.constant dense<0.000000e+00> : vector<512xf32>
    %reduce_sum3A_321 = vector.multi_reduction <add>, %exp3A_319, %reduce_sum3A_320 [1] : vector<512x1024xf32> to vector<512xf32>
    %broadcast_in_dim3A_322 = vector.shape_cast %reduce_sum3A_321 : vector<512xf32> to vector<512x1xf32>
    %div3A_323 = arith.constant 1.000000e+00 : f32
    %div3A_324 = vector.broadcast %div3A_323 : f32 to vector<512x1xf32>
    %div3A_325 = arith.divf %div3A_324, %broadcast_in_dim3A_322 : vector<512x1xf32>
    %convert_element_type3A_326 = arith.truncf %exp3A_319 : vector<512x1024xf32> to vector<512x1024xbf16>
    %dot_general3A_327 = arith.constant dense<0.000000e+00> : vector<512x16xf32>
    %dot_general3A_328 = tpu.matmul %convert_element_type3A_326, %slice3A_313, %dot_general3A_327 {dimension_numbers = #tpu.dot_dimension_numbers<[1], [0], [0], [1], [0, 0, 1, 1], [], []>, transpose_lhs_hint = false} : vector<512x1024xbf16>, vector<1024x16xbf16>, vector<512x16xf32> -> vector<512x16xf32>
    %mul3A_329 = vector.broadcast %div3A_325 : vector<512x1xf32> to vector<512x16xf32>
    %mul3A_330 = arith.mulf %dot_general3A_328, %mul3A_329 : vector<512x16xf32>
    %concatenate3A = tpu.concatenate %mul3A_90, %mul3A_127, %mul3A_164, %mul3A_201, %mul3A_238, %mul3A_275, %mul3A_312, %mul3A_330 in 1 : vector<512x16xf32>, vector<512x16xf32>, vector<512x16xf32>, vector<512x16xf32>, vector<512x16xf32>, vector<512x16xf32>, vector<512x16xf32>, vector<512x16xf32> -> vector<512x128xf32>
    %get3A_331 = arith.constant 0 : index
    %get3A_332 = arith.constant 0 : index
    %get3A_333 = vector.load %arg10[%get3A_331, %get3A_332] : memref<128x128xf32, #tpu.memory_space<vmem>>, vector<128x128xf32>
    %dot_general3A_334 = arith.constant dense<0.000000e+00> : vector<512x128xf32>
    %dot_general3A_335 = tpu.matmul %concatenate3A, %get3A_333, %dot_general3A_334 {dimension_numbers = #tpu.dot_dimension_numbers<[1], [0], [0], [1], [0, 0, 1, 1], [], []>, transpose_lhs_hint = false} : vector<512x128xf32>, vector<128x128xf32>, vector<512x128xf32> -> vector<512x128xf32>
    %add3A_336 = arith.addf %get3A_3, %dot_general3A_335 : vector<512x128xf32>
    %get3A_337 = arith.constant 0 : index
    %get3A_338 = arith.constant 0 : index
    %get3A_339 = vector.load %arg15[%get3A_337, %get3A_338] : memref<1x128xf32, #tpu.memory_space<vmem>>, vector<1x128xf32>
    %get3A_340 = arith.constant 0 : index
    %get3A_341 = arith.constant 0 : index
    %get3A_342 = vector.load %arg16[%get3A_340, %get3A_341] : memref<1x128xf32, #tpu.memory_space<vmem>>, vector<1x128xf32>
    %reduce_sum3A_343 = arith.constant dense<0.000000e+00> : vector<512xf32>
    %reduce_sum3A_344 = vector.multi_reduction <add>, %add3A_336, %reduce_sum3A_343 [1] : vector<512x128xf32> to vector<512xf32>
    %broadcast_in_dim3A_345 = vector.shape_cast %reduce_sum3A_344 : vector<512xf32> to vector<512x1xf32>
    %div3A_346 = arith.constant 1.280000e+02 : f32
    %div3A_347 = vector.broadcast %div3A_346 : f32 to vector<512x1xf32>
    %div3A_348 = arith.divf %broadcast_in_dim3A_345, %div3A_347 : vector<512x1xf32>
    %jit3A = arith.constant 0 : i32
    %reduce_sum3A_349 = arith.constant dense<0.000000e+00> : vector<512xf32>
    %reduce_sum3A_350 = vector.multi_reduction <add>, %add3A_336, %reduce_sum3A_349 [1] : vector<512x128xf32> to vector<512xf32>
    %broadcast_in_dim3A_351 = vector.shape_cast %reduce_sum3A_350 : vector<512xf32> to vector<512x1xf32>
    %div3A_352 = arith.constant 1.280000e+02 : f32
    %div3A_353 = vector.broadcast %div3A_352 : f32 to vector<512x1xf32>
    %div3A_354 = arith.divf %broadcast_in_dim3A_351, %div3A_353 : vector<512x1xf32>
    %sub3A_355 = vector.broadcast %div3A_354 : vector<512x1xf32> to vector<512x128xf32>
    %sub3A_356 = arith.subf %add3A_336, %sub3A_355 : vector<512x128xf32>
    %square3A = arith.mulf %sub3A_356, %sub3A_356 : vector<512x128xf32>
    %convert_element_type3A_357 = arith.sitofp %jit3A : i32 to f32
    %sub3A_358 = arith.constant 1.280000e+02 : f32
    %sub3A_359 = arith.subf %sub3A_358, %convert_element_type3A_357 : f32
    %reduce_sum3A_360 = arith.constant dense<0.000000e+00> : vector<512xf32>
    %reduce_sum3A_361 = vector.multi_reduction <add>, %square3A, %reduce_sum3A_360 [1] : vector<512x128xf32> to vector<512xf32>
    %broadcast_in_dim3A_362 = vector.shape_cast %reduce_sum3A_361 : vector<512xf32> to vector<512x1xf32>
    %div3A_363 = vector.broadcast %sub3A_359 : f32 to vector<512x1xf32>
    %div3A_364 = arith.divf %broadcast_in_dim3A_362, %div3A_363 : vector<512x1xf32>
    %gt3A = arith.constant 0.000000e+00 : f32
    %gt3A_365 = arith.cmpf ogt, %sub3A_359, %gt3A : f32
    %jit3A_366 = arith.constant 0x7FC00000 : f32
    %broadcast_in_dim3A_367 = vector.broadcast %jit3A_366 : f32 to vector<512x1xf32>
    %select_n3A_368 = arith.select %gt3A_365, %div3A_364, %broadcast_in_dim3A_367 : vector<512x1xf32>
    %sub3A_369 = vector.broadcast %div3A_348 : vector<512x1xf32> to vector<512x128xf32>
    %sub3A_370 = arith.subf %add3A_336, %sub3A_369 : vector<512x128xf32>
    %add3A_371 = arith.constant 9.99999974E-6 : f32
    %add3A_372 = vector.broadcast %add3A_371 : f32 to vector<512x1xf32>
    %add3A_373 = arith.addf %select_n3A_368, %add3A_372 : vector<512x1xf32>
    %sqrt3A = math.sqrt %add3A_373 : vector<512x1xf32>
    %div3A_374 = vector.broadcast %sqrt3A : vector<512x1xf32> to vector<512x128xf32>
    %div3A_375 = arith.divf %sub3A_370, %div3A_374 : vector<512x128xf32>
    %mul3A_376 = vector.broadcast %get3A_339 : vector<1x128xf32> to vector<512x128xf32>
    %mul3A_377 = arith.mulf %div3A_375, %mul3A_376 : vector<512x128xf32>
    %add3A_378 = vector.broadcast %get3A_342 : vector<1x128xf32> to vector<512x128xf32>
    %add3A_379 = arith.addf %mul3A_377, %add3A_378 : vector<512x128xf32>
    %get3A_380 = arith.constant 0 : index
    %get3A_381 = arith.constant 0 : index
    %get3A_382 = vector.load %arg11[%get3A_380, %get3A_381] : memref<128x512xf32, #tpu.memory_space<vmem>>, vector<128x512xf32>
    %dot_general3A_383 = arith.constant dense<0.000000e+00> : vector<512x512xf32>
    %dot_general3A_384 = tpu.matmul %add3A_379, %get3A_382, %dot_general3A_383 {dimension_numbers = #tpu.dot_dimension_numbers<[1], [0], [0], [1], [0, 0, 1, 1], [], []>, transpose_lhs_hint = false} : vector<512x128xf32>, vector<128x512xf32>, vector<512x512xf32> -> vector<512x512xf32>
    %get3A_385 = arith.constant 0 : index
    %get3A_386 = arith.constant 0 : index
    %get3A_387 = vector.load %arg12[%get3A_385, %get3A_386] : memref<1x512xf32, #tpu.memory_space<vmem>>, vector<1x512xf32>
    %add3A_388 = vector.broadcast %get3A_387 : vector<1x512xf32> to vector<512x512xf32>
    %add3A_389 = arith.addf %dot_general3A_384, %add3A_388 : vector<512x512xf32>
    %max3A = arith.constant 0.000000e+00 : f32
    %max3A_390 = vector.broadcast %max3A : f32 to vector<512x512xf32>
    %max3A_391 = arith.maximumf %add3A_389, %max3A_390 : vector<512x512xf32>
    %get3A_392 = arith.constant 0 : index
    %get3A_393 = arith.constant 0 : index
    %get3A_394 = vector.load %arg13[%get3A_392, %get3A_393] : memref<512x128xf32, #tpu.memory_space<vmem>>, vector<512x128xf32>
    %dot_general3A_395 = arith.constant dense<0.000000e+00> : vector<512x128xf32>
    %dot_general3A_396 = tpu.matmul %max3A_391, %get3A_394, %dot_general3A_395 {dimension_numbers = #tpu.dot_dimension_numbers<[1], [0], [0], [1], [0, 0, 1, 1], [], []>, transpose_lhs_hint = false} : vector<512x512xf32>, vector<512x128xf32>, vector<512x128xf32> -> vector<512x128xf32>
    %get3A_397 = arith.constant 0 : index
    %get3A_398 = arith.constant 0 : index
    %get3A_399 = vector.load %arg14[%get3A_397, %get3A_398] : memref<1x128xf32, #tpu.memory_space<vmem>>, vector<1x128xf32>
    %add3A_400 = vector.broadcast %get3A_399 : vector<1x128xf32> to vector<512x128xf32>
    %add3A_401 = arith.addf %dot_general3A_396, %add3A_400 : vector<512x128xf32>
    %add3A_402 = arith.addf %add3A_379, %add3A_401 : vector<512x128xf32>
    %get3A_403 = arith.constant 0 : index
    %get3A_404 = arith.constant 0 : index
    %get3A_405 = vector.load %arg17[%get3A_403, %get3A_404] : memref<1x128xf32, #tpu.memory_space<vmem>>, vector<1x128xf32>
    %get3A_406 = arith.constant 0 : index
    %get3A_407 = arith.constant 0 : index
    %get3A_408 = vector.load %arg18[%get3A_406, %get3A_407] : memref<1x128xf32, #tpu.memory_space<vmem>>, vector<1x128xf32>
    %reduce_sum3A_409 = arith.constant dense<0.000000e+00> : vector<512xf32>
    %reduce_sum3A_410 = vector.multi_reduction <add>, %add3A_402, %reduce_sum3A_409 [1] : vector<512x128xf32> to vector<512xf32>
    %broadcast_in_dim3A_411 = vector.shape_cast %reduce_sum3A_410 : vector<512xf32> to vector<512x1xf32>
    %div3A_412 = arith.constant 1.280000e+02 : f32
    %div3A_413 = vector.broadcast %div3A_412 : f32 to vector<512x1xf32>
    %div3A_414 = arith.divf %broadcast_in_dim3A_411, %div3A_413 : vector<512x1xf32>
    %jit3A_415 = arith.constant 0 : i32
    %reduce_sum3A_416 = arith.constant dense<0.000000e+00> : vector<512xf32>
    %reduce_sum3A_417 = vector.multi_reduction <add>, %add3A_402, %reduce_sum3A_416 [1] : vector<512x128xf32> to vector<512xf32>
    %broadcast_in_dim3A_418 = vector.shape_cast %reduce_sum3A_417 : vector<512xf32> to vector<512x1xf32>
    %div3A_419 = arith.constant 1.280000e+02 : f32
    %div3A_420 = vector.broadcast %div3A_419 : f32 to vector<512x1xf32>
    %div3A_421 = arith.divf %broadcast_in_dim3A_418, %div3A_420 : vector<512x1xf32>
    %sub3A_422 = vector.broadcast %div3A_421 : vector<512x1xf32> to vector<512x128xf32>
    %sub3A_423 = arith.subf %add3A_402, %sub3A_422 : vector<512x128xf32>
    %square3A_424 = arith.mulf %sub3A_423, %sub3A_423 : vector<512x128xf32>
    %convert_element_type3A_425 = arith.sitofp %jit3A_415 : i32 to f32
    %sub3A_426 = arith.constant 1.280000e+02 : f32
    %sub3A_427 = arith.subf %sub3A_426, %convert_element_type3A_425 : f32
    %reduce_sum3A_428 = arith.constant dense<0.000000e+00> : vector<512xf32>
    %reduce_sum3A_429 = vector.multi_reduction <add>, %square3A_424, %reduce_sum3A_428 [1] : vector<512x128xf32> to vector<512xf32>
    %broadcast_in_dim3A_430 = vector.shape_cast %reduce_sum3A_429 : vector<512xf32> to vector<512x1xf32>
    %div3A_431 = vector.broadcast %sub3A_427 : f32 to vector<512x1xf32>
    %div3A_432 = arith.divf %broadcast_in_dim3A_430, %div3A_431 : vector<512x1xf32>
    %gt3A_433 = arith.constant 0.000000e+00 : f32
    %gt3A_434 = arith.cmpf ogt, %sub3A_427, %gt3A_433 : f32
    %jit3A_435 = arith.constant 0x7FC00000 : f32
    %broadcast_in_dim3A_436 = vector.broadcast %jit3A_435 : f32 to vector<512x1xf32>
    %select_n3A_437 = arith.select %gt3A_434, %div3A_432, %broadcast_in_dim3A_436 : vector<512x1xf32>
    %sub3A_438 = vector.broadcast %div3A_414 : vector<512x1xf32> to vector<512x128xf32>
    %sub3A_439 = arith.subf %add3A_402, %sub3A_438 : vector<512x128xf32>
    %add3A_440 = arith.constant 9.99999974E-6 : f32
    %add3A_441 = vector.broadcast %add3A_440 : f32 to vector<512x1xf32>
    %add3A_442 = arith.addf %select_n3A_437, %add3A_441 : vector<512x1xf32>
    %sqrt3A_443 = math.sqrt %add3A_442 : vector<512x1xf32>
    %div3A_444 = vector.broadcast %sqrt3A_443 : vector<512x1xf32> to vector<512x128xf32>
    %div3A_445 = arith.divf %sub3A_439, %div3A_444 : vector<512x128xf32>
    %mul3A_446 = vector.broadcast %get3A_405 : vector<1x128xf32> to vector<512x128xf32>
    %mul3A_447 = arith.mulf %div3A_445, %mul3A_446 : vector<512x128xf32>
    %add3A_448 = vector.broadcast %get3A_408 : vector<1x128xf32> to vector<512x128xf32>
    %add3A_449 = arith.addf %mul3A_447, %add3A_448 : vector<512x128xf32>
    %swap3A = arith.constant 0 : index
    %swap3A_450 = arith.constant 0 : index
    %swap3A_451 = arith.constant 0 : index
    %swap3A_452 = vector.load %arg19[%swap3A, %swap3A_450, %swap3A_451] : memref<1x512x128xf32, #tpu.memory_space<vmem>>, vector<1x512x128xf32>
    %swap3A_453 = vector.shape_cast %swap3A_452 : vector<1x512x128xf32> to vector<512x128xf32>
    %swap3A_454 = vector.shape_cast %add3A_449 : vector<512x128xf32> to vector<1x512x128xf32>
    tpu.vector_store %arg19[%swap3A, %swap3A_450, %swap3A_451], %swap3A_454 {strides = array<i32>} : memref<1x512x128xf32, #tpu.memory_space<vmem>>, vector<1x512x128xf32>,
    return
  }
  func.func @transform_0(%arg0: i32, %arg1: i32) -> (i32, i32, i32) {
    %c0_i32 = arith.constant 0 : i32
    %c0_i32_0 = arith.constant 0 : i32
    return %arg0, %arg1, %c0_i32 : i32, i32, i32
  }
  func.func @transform_1(%arg0: i32, %arg1: i32) -> (i32, i32, i32) {
    %c0_i32 = arith.constant 0 : i32
    %c0_i32_0 = arith.constant 0 : i32
    %c0_i32_1 = arith.constant 0 : i32
    return %arg0, %c0_i32, %c0_i32_0 : i32, i32, i32
  }
  func.func @transform_2(%arg0: i32, %arg1: i32) -> (i32, i32, i32) {
    %c0_i32 = arith.constant 0 : i32
    %c0_i32_0 = arith.constant 0 : i32
    return %arg0, %arg1, %c0_i32 : i32, i32, i32
  }
  func.func @transform_3(%arg0: i32, %arg1: i32) -> (i32, i32, i32) {
    %c0_i32 = arith.constant 0 : i32
    %c0_i32_0 = arith.constant 0 : i32
    return %arg0, %arg1, %c0_i32 : i32, i32, i32
  }
  func.func @transform_4(%arg0: i32, %arg1: i32) -> (i32, i32) {
    %c0_i32 = arith.constant 0 : i32
    %c0_i32_0 = arith.constant 0 : i32
    %c0_i32_1 = arith.constant 0 : i32
    return %c0_i32, %c0_i32_0 : i32, i32
  }
  func.func @transform_5(%arg0: i32, %arg1: i32) -> (i32, i32) {
    %c0_i32 = arith.constant 0 : i32
    %c0_i32_0 = arith.constant 0 : i32
    %c0_i32_1 = arith.constant 0 : i32
    return %c0_i32, %c0_i32_0 : i32, i32
  }
  func.func @transform_6(%arg0: i32, %arg1: i32) -> (i32, i32) {
    %c0_i32 = arith.constant 0 : i32
    %c0_i32_0 = arith.constant 0 : i32
    %c0_i32_1 = arith.constant 0 : i32
    return %c0_i32, %c0_i32_0 : i32, i32
  }
  func.func @transform_7(%arg0: i32, %arg1: i32) -> (i32, i32) {
    %c0_i32 = arith.constant 0 : i32
    %c0_i32_0 = arith.constant 0 : i32
    %c0_i32_1 = arith.constant 0 : i32
    return %c0_i32, %c0_i32_0 : i32, i32
  }
  func.func @transform_8(%arg0: i32, %arg1: i32) -> (i32, i32) {
    %c0_i32 = arith.constant 0 : i32
    %c0_i32_0 = arith.constant 0 : i32
    %c0_i32_1 = arith.constant 0 : i32
    return %c0_i32, %c0_i32_0 : i32, i32
  }
  func.func @transform_9(%arg0: i32, %arg1: i32) -> (i32, i32) {
    %c0_i32 = arith.constant 0 : i32
    %c0_i32_0 = arith.constant 0 : i32
    %c0_i32_1 = arith.constant 0 : i32
    return %c0_i32, %c0_i32_0 : i32, i32
  }
  func.func @transform_10(%arg0: i32, %arg1: i32) -> (i32, i32) {
    %c0_i32 = arith.constant 0 : i32
    %c0_i32_0 = arith.constant 0 : i32
    %c0_i32_1 = arith.constant 0 : i32
    return %c0_i32, %c0_i32_0 : i32, i32
  }
  func.func @transform_11(%arg0: i32, %arg1: i32) -> (i32, i32) {
    %c0_i32 = arith.constant 0 : i32
    %c0_i32_0 = arith.constant 0 : i32
    %c0_i32_1 = arith.constant 0 : i32
    return %c0_i32, %c0_i32_0 : i32, i32
  }
  func.func @transform_12(%arg0: i32, %arg1: i32) -> (i32, i32) {
    %c0_i32 = arith.constant 0 : i32
    %c0_i32_0 = arith.constant 0 : i32
    %c0_i32_1 = arith.constant 0 : i32
    return %c0_i32, %c0_i32_0 : i32, i32
  }
  func.func @transform_13(%arg0: i32, %arg1: i32) -> (i32, i32) {
    %c0_i32 = arith.constant 0 : i32
    %c0_i32_0 = arith.constant 0 : i32
    %c0_i32_1 = arith.constant 0 : i32
    return %c0_i32, %c0_i32_0 : i32, i32
  }
  func.func @transform_14(%arg0: i32, %arg1: i32) -> (i32, i32) {
    %c0_i32 = arith.constant 0 : i32
    %c0_i32_0 = arith.constant 0 : i32
    %c0_i32_1 = arith.constant 0 : i32
    return %c0_i32, %c0_i32_0 : i32, i32
  }
  func.func @transform_15(%arg0: i32, %arg1: i32) -> (i32, i32) {
    %c0_i32 = arith.constant 0 : i32
    %c0_i32_0 = arith.constant 0 : i32
    %c0_i32_1 = arith.constant 0 : i32
    return %c0_i32, %c0_i32_0 : i32, i32
  }
  func.func @transform_16(%arg0: i32, %arg1: i32) -> (i32, i32) {
    %c0_i32 = arith.constant 0 : i32
    %c0_i32_0 = arith.constant 0 : i32
    %c0_i32_1 = arith.constant 0 : i32
    return %c0_i32, %c0_i32_0 : i32, i32
  }
  func.func @transform_17(%arg0: i32, %arg1: i32) -> (i32, i32, i32) {
    %c0_i32 = arith.constant 0 : i32
    %c0_i32_0 = arith.constant 0 : i32
    return %arg0, %arg1, %c0_i32 : i32, i32, i32
  }
}

module attributes {stable_mosaic.version = 14 : i64} {
  func.func @_layer_body(%arg0: i32, %arg1: i32, %arg2: memref<1x512x128xf32, #tpu.memory_space<vmem>>, %arg3: memref<1x1024x128xf32, #tpu.memory_space<vmem>>, %arg4: memref<1x512x1024xi8, #tpu.memory_space<vmem>>, %arg5: memref<1x512x1024xi32, #tpu.memory_space<vmem>>, %arg6: memref<32x128xf32, #tpu.memory_space<vmem>>, %arg7: memref<128x128xf32, #tpu.memory_space<vmem>>, %arg8: memref<128x128xf32, #tpu.memory_space<vmem>>, %arg9: memref<128x128xf32, #tpu.memory_space<vmem>>, %arg10: memref<128x128xf32, #tpu.memory_space<vmem>>, %arg11: memref<128x512xf32, #tpu.memory_space<vmem>>, %arg12: memref<1x512xf32, #tpu.memory_space<vmem>>, %arg13: memref<512x128xf32, #tpu.memory_space<vmem>>, %arg14: memref<1x128xf32, #tpu.memory_space<vmem>>, %arg15: memref<1x128xf32, #tpu.memory_space<vmem>>, %arg16: memref<1x128xf32, #tpu.memory_space<vmem>>, %arg17: memref<1x128xf32, #tpu.memory_space<vmem>>, %arg18: memref<1x128xf32, #tpu.memory_space<vmem>>, %arg19: memref<1x512x128xf32, #tpu.memory_space<vmem>>) attributes {dimension_semantics = [#tpu.dimension_semantics<arbitrary>, #tpu.dimension_semantics<arbitrary>], iteration_bounds = array<i64: 2, 2>, scalar_prefetch = 0 : i64, scratch_operands = 0 : i64, tpu.core_type = #tpu.core_type<tc>, window_params = [{transform_indices = @transform_0, window_bounds = array<i64: 1, 512, 128>}, {transform_indices = @transform_1, window_bounds = array<i64: 1, 1024, 128>}, {transform_indices = @transform_2, window_bounds = array<i64: 1, 512, 1024>}, {transform_indices = @transform_3, window_bounds = array<i64: 1, 512, 1024>}, {pipeline_mode = #tpu.pipeline_mode<synchronous>, transform_indices = @transform_4, window_bounds = array<i64: 32, 128>}, {pipeline_mode = #tpu.pipeline_mode<synchronous>, transform_indices = @transform_5, window_bounds = array<i64: 128, 128>}, {pipeline_mode = #tpu.pipeline_mode<synchronous>, transform_indices = @transform_6, window_bounds = array<i64: 128, 128>}, {pipeline_mode = #tpu.pipeline_mode<synchronous>, transform_indices = @transform_7, window_bounds = array<i64: 128, 128>}, {pipeline_mode = #tpu.pipeline_mode<synchronous>, transform_indices = @transform_8, window_bounds = array<i64: 128, 128>}, {pipeline_mode = #tpu.pipeline_mode<synchronous>, transform_indices = @transform_9, window_bounds = array<i64: 128, 512>}, {pipeline_mode = #tpu.pipeline_mode<synchronous>, transform_indices = @transform_10, window_bounds = array<i64: 1, 512>}, {pipeline_mode = #tpu.pipeline_mode<synchronous>, transform_indices = @transform_11, window_bounds = array<i64: 512, 128>}, {pipeline_mode = #tpu.pipeline_mode<synchronous>, transform_indices = @transform_12, window_bounds = array<i64: 1, 128>}, {pipeline_mode = #tpu.pipeline_mode<synchronous>, transform_indices = @transform_13, window_bounds = array<i64: 1, 128>}, {pipeline_mode = #tpu.pipeline_mode<synchronous>, transform_indices = @transform_14, window_bounds = array<i64: 1, 128>}, {pipeline_mode = #tpu.pipeline_mode<synchronous>, transform_indices = @transform_15, window_bounds = array<i64: 1, 128>}, {pipeline_mode = #tpu.pipeline_mode<synchronous>, transform_indices = @transform_16, window_bounds = array<i64: 1, 128>}, {transform_indices = @transform_17, window_bounds = array<i64: 1, 512, 128>}]} {
    %get3A = arith.constant 0 : index
    %get3A_0 = arith.constant 0 : index
    %get3A_1 = arith.constant 0 : index
    %get3A_2 = vector.load %arg2[%get3A, %get3A_0, %get3A_1] : memref<1x512x128xf32, #tpu.memory_space<vmem>>, vector<1x512x128xf32>
    %get3A_3 = vector.shape_cast %get3A_2 : vector<1x512x128xf32> to vector<512x128xf32>
    %get3A_4 = arith.constant 0 : index
    %get3A_5 = arith.constant 0 : index
    %get3A_6 = arith.constant 0 : index
    %get3A_7 = vector.load %arg3[%get3A_4, %get3A_5, %get3A_6] : memref<1x1024x128xf32, #tpu.memory_space<vmem>>, vector<1x1024x128xf32>
    %get3A_8 = vector.shape_cast %get3A_7 : vector<1x1024x128xf32> to vector<1024x128xf32>
    %get3A_9 = arith.constant 0 : index
    %get3A_10 = arith.constant 0 : index
    %get3A_11 = arith.constant 0 : index
    %get3A_12 = vector.load %arg4[%get3A_9, %get3A_10, %get3A_11] : memref<1x512x1024xi8, #tpu.memory_space<vmem>>, vector<1x512x1024xi8>
    %get3A_13 = vector.shape_cast %get3A_12 : vector<1x512x1024xi8> to vector<512x1024xi8>
    %convert_element_type3A = arith.sitofp %get3A_13 : vector<512x1024xi8> to vector<512x1024xf32>
    %sub3A = arith.constant 1.000000e+00 : f32
    %sub3A_14 = vector.broadcast %sub3A : f32 to vector<512x1024xf32>
    %sub3A_15 = arith.subf %convert_element_type3A, %sub3A_14 : vector<512x1024xf32>
    %mul3A = arith.constant 1.000000e+09 : f32
    %mul3A_16 = vector.broadcast %mul3A : f32 to vector<512x1024xf32>
    %mul3A_17 = arith.mulf %sub3A_15, %mul3A_16 : vector<512x1024xf32>
    %get3A_18 = arith.constant 0 : index
    %get3A_19 = arith.constant 0 : index
    %get3A_20 = arith.constant 0 : index
    %get3A_21 = vector.load %arg5[%get3A_18, %get3A_19, %get3A_20] : memref<1x512x1024xi32, #tpu.memory_space<vmem>>, vector<1x512x1024xi32>
    %get3A_22 = vector.shape_cast %get3A_21 : vector<1x512x1024xi32> to vector<512x1024xi32>
    %get3A_23 = arith.constant 0 : index
    %get3A_24 = arith.constant 0 : index
    %get3A_25 = vector.load %arg8[%get3A_23, %get3A_24] : memref<128x128xf32, #tpu.memory_space<vmem>>, vector<128x128xf32>
    %get3A_26 = arith.constant 0 : index
    %get3A_27 = arith.constant 0 : index
    %get3A_28 = vector.load %arg7[%get3A_26, %get3A_27] : memref<128x128xf32, #tpu.memory_space<vmem>>, vector<128x128xf32>
    %dot_general3A = arith.constant dense<0.000000e+00> : vector<512x128xf32>
    %dot_general3A_29 = tpu.matmul %get3A_3, %get3A_28, %dot_general3A {dimension_numbers = #tpu.dot_dimension_numbers<[1], [0], [0], [1], [0, 0, 1, 1], [], []>, transpose_lhs_hint = false} : vector<512x128xf32>, vector<128x128xf32>, vector<512x128xf32> -> vector<512x128xf32>
    %mul3A_30 = arith.constant 2.500000e-01 : f32
    %mul3A_31 = vector.broadcast %mul3A_30 : f32 to vector<512x128xf32>
    %mul3A_32 = arith.mulf %dot_general3A_29, %mul3A_31 : vector<512x128xf32>
    %dot_general3A_33 = arith.constant dense<0.000000e+00> : vector<1024x128xf32>
    %dot_general3A_34 = tpu.matmul %get3A_8, %get3A_25, %dot_general3A_33 {dimension_numbers = #tpu.dot_dimension_numbers<[1], [0], [0], [1], [0, 0, 1, 1], [], []>, transpose_lhs_hint = false} : vector<1024x128xf32>, vector<128x128xf32>, vector<1024x128xf32> -> vector<1024x128xf32>
    %get3A_35 = arith.constant 0 : index
    %get3A_36 = arith.constant 0 : index
    %get3A_37 = vector.load %arg9[%get3A_35, %get3A_36] : memref<128x128xf32, #tpu.memory_space<vmem>>, vector<128x128xf32>
    %dot_general3A_38 = arith.constant dense<0.000000e+00> : vector<1024x128xf32>
    %dot_general3A_39 = tpu.matmul %get3A_8, %get3A_37, %dot_general3A_38 {dimension_numbers = #tpu.dot_dimension_numbers<[1], [0], [0], [1], [0, 0, 1, 1], [], []>, transpose_lhs_hint = false} : vector<1024x128xf32>, vector<128x128xf32>, vector<1024x128xf32> -> vector<1024x128xf32>
    %get3A_40 = arith.constant 0 : index
    %get3A_41 = arith.constant 0 : index
    %get3A_42 = vector.load %arg6[%get3A_40, %get3A_41] : memref<32x128xf32, #tpu.memory_space<vmem>>, vector<32x128xf32>
    %dot_general3A_43 = arith.constant dense<0.000000e+00> : vector<32x128xf32>
    %dot_general3A_44 = tpu.matmul %get3A_42, %get3A_25, %dot_general3A_43 {dimension_numbers = #tpu.dot_dimension_numbers<[1], [0], [0], [1], [0, 0, 1, 1], [], []>, transpose_lhs_hint = false} : vector<32x128xf32>, vector<128x128xf32>, vector<32x128xf32> -> vector<32x128xf32>
    %convert_element_type3A_45 = arith.truncf %dot_general3A_39 : vector<1024x128xf32> to vector<1024x128xbf16>
    %slice3A = vector.extract_strided_slice %mul3A_32 {offsets = [0, 0], sizes = [512, 16], strides = [1, 1]} : vector<512x128xf32> to vector<512x16xf32>
    %slice3A_46 = vector.extract_strided_slice %dot_general3A_34 {offsets = [0, 0], sizes = [1024, 16], strides = [1, 1]} : vector<1024x128xf32> to vector<1024x16xf32>
    %dot_general3A_47 = arith.constant dense<0.000000e+00> : vector<512x1024xf32>
    %dot_general3A_48 = tpu.matmul %slice3A, %slice3A_46, %dot_general3A_47 {dimension_numbers = #tpu.dot_dimension_numbers<[1], [1], [0], [0], [0, 0, 1, 0], [], []>, transpose_lhs_hint = false} : vector<512x16xf32>, vector<1024x16xf32>, vector<512x1024xf32> -> vector<512x1024xf32>
    %slice3A_49 = vector.extract_strided_slice %dot_general3A_44 {offsets = [0, 0], sizes = [32, 16], strides = [1, 1]} : vector<32x128xf32> to vector<32x16xf32>
    %dot_general3A_50 = arith.constant dense<0.000000e+00> : vector<512x32xf32>
    %dot_general3A_51 = tpu.matmul %slice3A, %slice3A_49, %dot_general3A_50 {dimension_numbers = #tpu.dot_dimension_numbers<[1], [1], [0], [0], [0, 0, 1, 0], [], []>, transpose_lhs_hint = false} : vector<512x16xf32>, vector<32x16xf32>, vector<512x32xf32> -> vector<512x32xf32>
    %lt3A = arith.constant 0 : i32
    %lt3A_52 = vector.broadcast %lt3A : i32 to vector<512x1024xi32>
    %lt3A_53 = arith.cmpi slt, %get3A_22, %lt3A_52 : vector<512x1024xi32>
    %add3A = arith.constant 32 : i32
    %add3A_54 = vector.broadcast %add3A : i32 to vector<512x1024xi32>
    %add3A_55 = arith.addi %get3A_22, %add3A_54 : vector<512x1024xi32>
    %select_n3A = arith.select %lt3A_53, %add3A_55, %get3A_22 : vector<512x1024xi1>, vector<512x1024xi32>
    %reshape3A = vector.shape_cast %select_n3A : vector<512x1024xi32> to vector<512x1024x1xi32>
    %gather3A = vector.shape_cast %reshape3A : vector<512x1024x1xi32> to vector<512x1024xi32>
    %gather3A_56 = tpu.dynamic_gather %dot_general3A_51[%gather3A] in [1] : vector<512x32xf32>, vector<512x1024xi32> -> vector<512x1024xf32>
    %add3A_57 = arith.addf %dot_general3A_48, %gather3A_56 : vector<512x1024xf32>
    %add3A_58 = arith.addf %add3A_57, %mul3A_17 : vector<512x1024xf32>
    %slice3A_59 = vector.extract_strided_slice %mul3A_32 {offsets = [0, 16], sizes = [512, 16], strides = [1, 1]} : vector<512x128xf32> to vector<512x16xf32>
    %slice3A_60 = vector.extract_strided_slice %dot_general3A_34 {offsets = [0, 16], sizes = [1024, 16], strides = [1, 1]} : vector<1024x128xf32> to vector<1024x16xf32>
    %dot_general3A_61 = arith.constant dense<0.000000e+00> : vector<512x1024xf32>
    %dot_general3A_62 = tpu.matmul %slice3A_59, %slice3A_60, %dot_general3A_61 {dimension_numbers = #tpu.dot_dimension_numbers<[1], [1], [0], [0], [0, 0, 1, 0], [], []>, transpose_lhs_hint = false} : vector<512x16xf32>, vector<1024x16xf32>, vector<512x1024xf32> -> vector<512x1024xf32>
    %slice3A_63 = vector.extract_strided_slice %dot_general3A_44 {offsets = [0, 16], sizes = [32, 16], strides = [1, 1]} : vector<32x128xf32> to vector<32x16xf32>
    %dot_general3A_64 = arith.constant dense<0.000000e+00> : vector<512x32xf32>
    %dot_general3A_65 = tpu.matmul %slice3A_59, %slice3A_63, %dot_general3A_64 {dimension_numbers = #tpu.dot_dimension_numbers<[1], [1], [0], [0], [0, 0, 1, 0], [], []>, transpose_lhs_hint = false} : vector<512x16xf32>, vector<32x16xf32>, vector<512x32xf32> -> vector<512x32xf32>
    %lt3A_66 = arith.constant 0 : i32
    %lt3A_67 = vector.broadcast %lt3A_66 : i32 to vector<512x1024xi32>
    %lt3A_68 = arith.cmpi slt, %get3A_22, %lt3A_67 : vector<512x1024xi32>
    %add3A_69 = arith.constant 32 : i32
    %add3A_70 = vector.broadcast %add3A_69 : i32 to vector<512x1024xi32>
    %add3A_71 = arith.addi %get3A_22, %add3A_70 : vector<512x1024xi32>
    %select_n3A_72 = arith.select %lt3A_68, %add3A_71, %get3A_22 : vector<512x1024xi1>, vector<512x1024xi32>
    %reshape3A_73 = vector.shape_cast %select_n3A_72 : vector<512x1024xi32> to vector<512x1024x1xi32>
    %gather3A_74 = vector.shape_cast %reshape3A_73 : vector<512x1024x1xi32> to vector<512x1024xi32>
    %gather3A_75 = tpu.dynamic_gather %dot_general3A_65[%gather3A_74] in [1] : vector<512x32xf32>, vector<512x1024xi32> -> vector<512x1024xf32>
    %add3A_76 = arith.addf %dot_general3A_62, %gather3A_75 : vector<512x1024xf32>
    %add3A_77 = arith.addf %add3A_76, %mul3A_17 : vector<512x1024xf32>
    %slice3A_78 = vector.extract_strided_slice %convert_element_type3A_45 {offsets = [0, 0], sizes = [1024, 16], strides = [1, 1]} : vector<1024x128xbf16> to vector<1024x16xbf16>
    %reduce_max3A = arith.constant dense<0xFF800000> : vector<512xf32>
    %reduce_max3A_79 = vector.multi_reduction <maximumf>, %add3A_58, %reduce_max3A [1] : vector<512x1024xf32> to vector<512xf32>
    %broadcast_in_dim3A = vector.shape_cast %reduce_max3A_79 : vector<512xf32> to vector<512x1xf32>
    %sub3A_80 = vector.broadcast %broadcast_in_dim3A : vector<512x1xf32> to vector<512x1024xf32>
    %sub3A_81 = arith.subf %add3A_58, %sub3A_80 : vector<512x1024xf32>
    %exp3A = math.exp %sub3A_81 : vector<512x1024xf32>
    %reduce_sum3A = arith.constant dense<0.000000e+00> : vector<512xf32>
    %reduce_sum3A_82 = vector.multi_reduction <add>, %exp3A, %reduce_sum3A [1] : vector<512x1024xf32> to vector<512xf32>
    %broadcast_in_dim3A_83 = vector.shape_cast %reduce_sum3A_82 : vector<512xf32> to vector<512x1xf32>
    %div3A = arith.constant 1.000000e+00 : f32
    %div3A_84 = vector.broadcast %div3A : f32 to vector<512x1xf32>
    %div3A_85 = arith.divf %div3A_84, %broadcast_in_dim3A_83 : vector<512x1xf32>
    %convert_element_type3A_86 = arith.truncf %exp3A : vector<512x1024xf32> to vector<512x1024xbf16>
    %dot_general3A_87 = arith.constant dense<0.000000e+00> : vector<512x16xf32>
    %dot_general3A_88 = tpu.matmul %convert_element_type3A_86, %slice3A_78, %dot_general3A_87 {dimension_numbers = #tpu.dot_dimension_numbers<[1], [0], [0], [1], [0, 0, 1, 1], [], []>, transpose_lhs_hint = false} : vector<512x1024xbf16>, vector<1024x16xbf16>, vector<512x16xf32> -> vector<512x16xf32>
    %mul3A_89 = vector.broadcast %div3A_85 : vector<512x1xf32> to vector<512x16xf32>
    %mul3A_90 = arith.mulf %dot_general3A_88, %mul3A_89 : vector<512x16xf32>
    %slice3A_91 = vector.extract_strided_slice %mul3A_32 {offsets = [0, 32], sizes = [512, 16], strides = [1, 1]} : vector<512x128xf32> to vector<512x16xf32>
    %slice3A_92 = vector.extract_strided_slice %dot_general3A_34 {offsets = [0, 32], sizes = [1024, 16], strides = [1, 1]} : vector<1024x128xf32> to vector<1024x16xf32>
    %dot_general3A_93 = arith.constant dense<0.000000e+00> : vector<512x1024xf32>
    %dot_general3A_94 = tpu.matmul %slice3A_91, %slice3A_92, %dot_general3A_93 {dimension_numbers = #tpu.dot_dimension_numbers<[1], [1], [0], [0], [0, 0, 1, 0], [], []>, transpose_lhs_hint = false} : vector<512x16xf32>, vector<1024x16xf32>, vector<512x1024xf32> -> vector<512x1024xf32>
    %slice3A_95 = vector.extract_strided_slice %dot_general3A_44 {offsets = [0, 32], sizes = [32, 16], strides = [1, 1]} : vector<32x128xf32> to vector<32x16xf32>
    %dot_general3A_96 = arith.constant dense<0.000000e+00> : vector<512x32xf32>
    %dot_general3A_97 = tpu.matmul %slice3A_91, %slice3A_95, %dot_general3A_96 {dimension_numbers = #tpu.dot_dimension_numbers<[1], [1], [0], [0], [0, 0, 1, 0], [], []>, transpose_lhs_hint = false} : vector<512x16xf32>, vector<32x16xf32>, vector<512x32xf32> -> vector<512x32xf32>
    %lt3A_98 = arith.constant 0 : i32
    %lt3A_99 = vector.broadcast %lt3A_98 : i32 to vector<512x1024xi32>
    %lt3A_100 = arith.cmpi slt, %get3A_22, %lt3A_99 : vector<512x1024xi32>
    %add3A_101 = arith.constant 32 : i32
    %add3A_102 = vector.broadcast %add3A_101 : i32 to vector<512x1024xi32>
    %add3A_103 = arith.addi %get3A_22, %add3A_102 : vector<512x1024xi32>
    %select_n3A_104 = arith.select %lt3A_100, %add3A_103, %get3A_22 : vector<512x1024xi1>, vector<512x1024xi32>
    %reshape3A_105 = vector.shape_cast %select_n3A_104 : vector<512x1024xi32> to vector<512x1024x1xi32>
    %gather3A_106 = vector.shape_cast %reshape3A_105 : vector<512x1024x1xi32> to vector<512x1024xi32>
    %gather3A_107 = tpu.dynamic_gather %dot_general3A_97[%gather3A_106] in [1] : vector<512x32xf32>, vector<512x1024xi32> -> vector<512x1024xf32>
    %add3A_108 = arith.addf %dot_general3A_94, %gather3A_107 : vector<512x1024xf32>
    %add3A_109 = arith.addf %add3A_108, %mul3A_17 : vector<512x1024xf32>
    %slice3A_110 = vector.extract_strided_slice %convert_element_type3A_45 {offsets = [0, 16], sizes = [1024, 16], strides = [1, 1]} : vector<1024x128xbf16> to vector<1024x16xbf16>
    %reduce_max3A_111 = arith.constant dense<0xFF800000> : vector<512xf32>
    %reduce_max3A_112 = vector.multi_reduction <maximumf>, %add3A_77, %reduce_max3A_111 [1] : vector<512x1024xf32> to vector<512xf32>
    %broadcast_in_dim3A_113 = vector.shape_cast %reduce_max3A_112 : vector<512xf32> to vector<512x1xf32>
    %sub3A_114 = vector.broadcast %broadcast_in_dim3A_113 : vector<512x1xf32> to vector<512x1024xf32>
    %sub3A_115 = arith.subf %add3A_77, %sub3A_114 : vector<512x1024xf32>
    %exp3A_116 = math.exp %sub3A_115 : vector<512x1024xf32>
    %reduce_sum3A_117 = arith.constant dense<0.000000e+00> : vector<512xf32>
    %reduce_sum3A_118 = vector.multi_reduction <add>, %exp3A_116, %reduce_sum3A_117 [1] : vector<512x1024xf32> to vector<512xf32>
    %broadcast_in_dim3A_119 = vector.shape_cast %reduce_sum3A_118 : vector<512xf32> to vector<512x1xf32>
    %div3A_120 = arith.constant 1.000000e+00 : f32
    %div3A_121 = vector.broadcast %div3A_120 : f32 to vector<512x1xf32>
    %div3A_122 = arith.divf %div3A_121, %broadcast_in_dim3A_119 : vector<512x1xf32>
    %convert_element_type3A_123 = arith.truncf %exp3A_116 : vector<512x1024xf32> to vector<512x1024xbf16>
    %dot_general3A_124 = arith.constant dense<0.000000e+00> : vector<512x16xf32>
    %dot_general3A_125 = tpu.matmul %convert_element_type3A_123, %slice3A_110, %dot_general3A_124 {dimension_numbers = #tpu.dot_dimension_numbers<[1], [0], [0], [1], [0, 0, 1, 1], [], []>, transpose_lhs_hint = false} : vector<512x1024xbf16>, vector<1024x16xbf16>, vector<512x16xf32> -> vector<512x16xf32>
    %mul3A_126 = vector.broadcast %div3A_122 : vector<512x1xf32> to vector<512x16xf32>
    %mul3A_127 = arith.mulf %dot_general3A_125, %mul3A_126 : vector<512x16xf32>
    %slice3A_128 = vector.extract_strided_slice %mul3A_32 {offsets = [0, 48], sizes = [512, 16], strides = [1, 1]} : vector<512x128xf32> to vector<512x16xf32>
    %slice3A_129 = vector.extract_strided_slice %dot_general3A_34 {offsets = [0, 48], sizes = [1024, 16], strides = [1, 1]} : vector<1024x128xf32> to vector<1024x16xf32>
    %dot_general3A_130 = arith.constant dense<0.000000e+00> : vector<512x1024xf32>
    %dot_general3A_131 = tpu.matmul %slice3A_128, %slice3A_129, %dot_general3A_130 {dimension_numbers = #tpu.dot_dimension_numbers<[1], [1], [0], [0], [0, 0, 1, 0], [], []>, transpose_lhs_hint = false} : vector<512x16xf32>, vector<1024x16xf32>, vector<512x1024xf32> -> vector<512x1024xf32>
    %slice3A_132 = vector.extract_strided_slice %dot_general3A_44 {offsets = [0, 48], sizes = [32, 16], strides = [1, 1]} : vector<32x128xf32> to vector<32x16xf32>
    %dot_general3A_133 = arith.constant dense<0.000000e+00> : vector<512x32xf32>
    %dot_general3A_134 = tpu.matmul %slice3A_128, %slice3A_132, %dot_general3A_133 {dimension_numbers = #tpu.dot_dimension_numbers<[1], [1], [0], [0], [0, 0, 1, 0], [], []>, transpose_lhs_hint = false} : vector<512x16xf32>, vector<32x16xf32>, vector<512x32xf32> -> vector<512x32xf32>
    %lt3A_135 = arith.constant 0 : i32
    %lt3A_136 = vector.broadcast %lt3A_135 : i32 to vector<512x1024xi32>
    %lt3A_137 = arith.cmpi slt, %get3A_22, %lt3A_136 : vector<512x1024xi32>
    %add3A_138 = arith.constant 32 : i32
    %add3A_139 = vector.broadcast %add3A_138 : i32 to vector<512x1024xi32>
    %add3A_140 = arith.addi %get3A_22, %add3A_139 : vector<512x1024xi32>
    %select_n3A_141 = arith.select %lt3A_137, %add3A_140, %get3A_22 : vector<512x1024xi1>, vector<512x1024xi32>
    %reshape3A_142 = vector.shape_cast %select_n3A_141 : vector<512x1024xi32> to vector<512x1024x1xi32>
    %gather3A_143 = vector.shape_cast %reshape3A_142 : vector<512x1024x1xi32> to vector<512x1024xi32>
    %gather3A_144 = tpu.dynamic_gather %dot_general3A_134[%gather3A_143] in [1] : vector<512x32xf32>, vector<512x1024xi32> -> vector<512x1024xf32>
    %add3A_145 = arith.addf %dot_general3A_131, %gather3A_144 : vector<512x1024xf32>
    %add3A_146 = arith.addf %add3A_145, %mul3A_17 : vector<512x1024xf32>
    %slice3A_147 = vector.extract_strided_slice %convert_element_type3A_45 {offsets = [0, 32], sizes = [1024, 16], strides = [1, 1]} : vector<1024x128xbf16> to vector<1024x16xbf16>
    %reduce_max3A_148 = arith.constant dense<0xFF800000> : vector<512xf32>
    %reduce_max3A_149 = vector.multi_reduction <maximumf>, %add3A_109, %reduce_max3A_148 [1] : vector<512x1024xf32> to vector<512xf32>
    %broadcast_in_dim3A_150 = vector.shape_cast %reduce_max3A_149 : vector<512xf32> to vector<512x1xf32>
    %sub3A_151 = vector.broadcast %broadcast_in_dim3A_150 : vector<512x1xf32> to vector<512x1024xf32>
    %sub3A_152 = arith.subf %add3A_109, %sub3A_151 : vector<512x1024xf32>
    %exp3A_153 = math.exp %sub3A_152 : vector<512x1024xf32>
    %reduce_sum3A_154 = arith.constant dense<0.000000e+00> : vector<512xf32>
    %reduce_sum3A_155 = vector.multi_reduction <add>, %exp3A_153, %reduce_sum3A_154 [1] : vector<512x1024xf32> to vector<512xf32>
    %broadcast_in_dim3A_156 = vector.shape_cast %reduce_sum3A_155 : vector<512xf32> to vector<512x1xf32>
    %div3A_157 = arith.constant 1.000000e+00 : f32
    %div3A_158 = vector.broadcast %div3A_157 : f32 to vector<512x1xf32>
    %div3A_159 = arith.divf %div3A_158, %broadcast_in_dim3A_156 : vector<512x1xf32>
    %convert_element_type3A_160 = arith.truncf %exp3A_153 : vector<512x1024xf32> to vector<512x1024xbf16>
    %dot_general3A_161 = arith.constant dense<0.000000e+00> : vector<512x16xf32>
    %dot_general3A_162 = tpu.matmul %convert_element_type3A_160, %slice3A_147, %dot_general3A_161 {dimension_numbers = #tpu.dot_dimension_numbers<[1], [0], [0], [1], [0, 0, 1, 1], [], []>, transpose_lhs_hint = false} : vector<512x1024xbf16>, vector<1024x16xbf16>, vector<512x16xf32> -> vector<512x16xf32>
    %mul3A_163 = vector.broadcast %div3A_159 : vector<512x1xf32> to vector<512x16xf32>
    %mul3A_164 = arith.mulf %dot_general3A_162, %mul3A_163 : vector<512x16xf32>
    %slice3A_165 = vector.extract_strided_slice %mul3A_32 {offsets = [0, 64], sizes = [512, 16], strides = [1, 1]} : vector<512x128xf32> to vector<512x16xf32>
    %slice3A_166 = vector.extract_strided_slice %dot_general3A_34 {offsets = [0, 64], sizes = [1024, 16], strides = [1, 1]} : vector<1024x128xf32> to vector<1024x16xf32>
    %dot_general3A_167 = arith.constant dense<0.000000e+00> : vector<512x1024xf32>
    %dot_general3A_168 = tpu.matmul %slice3A_165, %slice3A_166, %dot_general3A_167 {dimension_numbers = #tpu.dot_dimension_numbers<[1], [1], [0], [0], [0, 0, 1, 0], [], []>, transpose_lhs_hint = false} : vector<512x16xf32>, vector<1024x16xf32>, vector<512x1024xf32> -> vector<512x1024xf32>
    %slice3A_169 = vector.extract_strided_slice %dot_general3A_44 {offsets = [0, 64], sizes = [32, 16], strides = [1, 1]} : vector<32x128xf32> to vector<32x16xf32>
    %dot_general3A_170 = arith.constant dense<0.000000e+00> : vector<512x32xf32>
    %dot_general3A_171 = tpu.matmul %slice3A_165, %slice3A_169, %dot_general3A_170 {dimension_numbers = #tpu.dot_dimension_numbers<[1], [1], [0], [0], [0, 0, 1, 0], [], []>, transpose_lhs_hint = false} : vector<512x16xf32>, vector<32x16xf32>, vector<512x32xf32> -> vector<512x32xf32>
    %lt3A_172 = arith.constant 0 : i32
    %lt3A_173 = vector.broadcast %lt3A_172 : i32 to vector<512x1024xi32>
    %lt3A_174 = arith.cmpi slt, %get3A_22, %lt3A_173 : vector<512x1024xi32>
    %add3A_175 = arith.constant 32 : i32
    %add3A_176 = vector.broadcast %add3A_175 : i32 to vector<512x1024xi32>
    %add3A_177 = arith.addi %get3A_22, %add3A_176 : vector<512x1024xi32>
    %select_n3A_178 = arith.select %lt3A_174, %add3A_177, %get3A_22 : vector<512x1024xi1>, vector<512x1024xi32>
    %reshape3A_179 = vector.shape_cast %select_n3A_178 : vector<512x1024xi32> to vector<512x1024x1xi32>
    %gather3A_180 = vector.shape_cast %reshape3A_179 : vector<512x1024x1xi32> to vector<512x1024xi32>
    %gather3A_181 = tpu.dynamic_gather %dot_general3A_171[%gather3A_180] in [1] : vector<512x32xf32>, vector<512x1024xi32> -> vector<512x1024xf32>
    %add3A_182 = arith.addf %dot_general3A_168, %gather3A_181 : vector<512x1024xf32>
    %add3A_183 = arith.addf %add3A_182, %mul3A_17 : vector<512x1024xf32>
    %slice3A_184 = vector.extract_strided_slice %convert_element_type3A_45 {offsets = [0, 48], sizes = [1024, 16], strides = [1, 1]} : vector<1024x128xbf16> to vector<1024x16xbf16>
    %reduce_max3A_185 = arith.constant dense<0xFF800000> : vector<512xf32>
    %reduce_max3A_186 = vector.multi_reduction <maximumf>, %add3A_146, %reduce_max3A_185 [1] : vector<512x1024xf32> to vector<512xf32>
    %broadcast_in_dim3A_187 = vector.shape_cast %reduce_max3A_186 : vector<512xf32> to vector<512x1xf32>
    %sub3A_188 = vector.broadcast %broadcast_in_dim3A_187 : vector<512x1xf32> to vector<512x1024xf32>
    %sub3A_189 = arith.subf %add3A_146, %sub3A_188 : vector<512x1024xf32>
    %exp3A_190 = math.exp %sub3A_189 : vector<512x1024xf32>
    %reduce_sum3A_191 = arith.constant dense<0.000000e+00> : vector<512xf32>
    %reduce_sum3A_192 = vector.multi_reduction <add>, %exp3A_190, %reduce_sum3A_191 [1] : vector<512x1024xf32> to vector<512xf32>
    %broadcast_in_dim3A_193 = vector.shape_cast %reduce_sum3A_192 : vector<512xf32> to vector<512x1xf32>
    %div3A_194 = arith.constant 1.000000e+00 : f32
    %div3A_195 = vector.broadcast %div3A_194 : f32 to vector<512x1xf32>
    %div3A_196 = arith.divf %div3A_195, %broadcast_in_dim3A_193 : vector<512x1xf32>
    %convert_element_type3A_197 = arith.truncf %exp3A_190 : vector<512x1024xf32> to vector<512x1024xbf16>
    %dot_general3A_198 = arith.constant dense<0.000000e+00> : vector<512x16xf32>
    %dot_general3A_199 = tpu.matmul %convert_element_type3A_197, %slice3A_184, %dot_general3A_198 {dimension_numbers = #tpu.dot_dimension_numbers<[1], [0], [0], [1], [0, 0, 1, 1], [], []>, transpose_lhs_hint = false} : vector<512x1024xbf16>, vector<1024x16xbf16>, vector<512x16xf32> -> vector<512x16xf32>
    %mul3A_200 = vector.broadcast %div3A_196 : vector<512x1xf32> to vector<512x16xf32>
    %mul3A_201 = arith.mulf %dot_general3A_199, %mul3A_200 : vector<512x16xf32>
    %slice3A_202 = vector.extract_strided_slice %mul3A_32 {offsets = [0, 80], sizes = [512, 16], strides = [1, 1]} : vector<512x128xf32> to vector<512x16xf32>
    %slice3A_203 = vector.extract_strided_slice %dot_general3A_34 {offsets = [0, 80], sizes = [1024, 16], strides = [1, 1]} : vector<1024x128xf32> to vector<1024x16xf32>
    %dot_general3A_204 = arith.constant dense<0.000000e+00> : vector<512x1024xf32>
    %dot_general3A_205 = tpu.matmul %slice3A_202, %slice3A_203, %dot_general3A_204 {dimension_numbers = #tpu.dot_dimension_numbers<[1], [1], [0], [0], [0, 0, 1, 0], [], []>, transpose_lhs_hint = false} : vector<512x16xf32>, vector<1024x16xf32>, vector<512x1024xf32> -> vector<512x1024xf32>
    %slice3A_206 = vector.extract_strided_slice %dot_general3A_44 {offsets = [0, 80], sizes = [32, 16], strides = [1, 1]} : vector<32x128xf32> to vector<32x16xf32>
    %dot_general3A_207 = arith.constant dense<0.000000e+00> : vector<512x32xf32>
    %dot_general3A_208 = tpu.matmul %slice3A_202, %slice3A_206, %dot_general3A_207 {dimension_numbers = #tpu.dot_dimension_numbers<[1], [1], [0], [0], [0, 0, 1, 0], [], []>, transpose_lhs_hint = false} : vector<512x16xf32>, vector<32x16xf32>, vector<512x32xf32> -> vector<512x32xf32>
    %lt3A_209 = arith.constant 0 : i32
    %lt3A_210 = vector.broadcast %lt3A_209 : i32 to vector<512x1024xi32>
    %lt3A_211 = arith.cmpi slt, %get3A_22, %lt3A_210 : vector<512x1024xi32>
    %add3A_212 = arith.constant 32 : i32
    %add3A_213 = vector.broadcast %add3A_212 : i32 to vector<512x1024xi32>
    %add3A_214 = arith.addi %get3A_22, %add3A_213 : vector<512x1024xi32>
    %select_n3A_215 = arith.select %lt3A_211, %add3A_214, %get3A_22 : vector<512x1024xi1>, vector<512x1024xi32>
    %reshape3A_216 = vector.shape_cast %select_n3A_215 : vector<512x1024xi32> to vector<512x1024x1xi32>
    %gather3A_217 = vector.shape_cast %reshape3A_216 : vector<512x1024x1xi32> to vector<512x1024xi32>
    %gather3A_218 = tpu.dynamic_gather %dot_general3A_208[%gather3A_217] in [1] : vector<512x32xf32>, vector<512x1024xi32> -> vector<512x1024xf32>
    %add3A_219 = arith.addf %dot_general3A_205, %gather3A_218 : vector<512x1024xf32>
    %add3A_220 = arith.addf %add3A_219, %mul3A_17 : vector<512x1024xf32>
    %slice3A_221 = vector.extract_strided_slice %convert_element_type3A_45 {offsets = [0, 64], sizes = [1024, 16], strides = [1, 1]} : vector<1024x128xbf16> to vector<1024x16xbf16>
    %reduce_max3A_222 = arith.constant dense<0xFF800000> : vector<512xf32>
    %reduce_max3A_223 = vector.multi_reduction <maximumf>, %add3A_183, %reduce_max3A_222 [1] : vector<512x1024xf32> to vector<512xf32>
    %broadcast_in_dim3A_224 = vector.shape_cast %reduce_max3A_223 : vector<512xf32> to vector<512x1xf32>
    %sub3A_225 = vector.broadcast %broadcast_in_dim3A_224 : vector<512x1xf32> to vector<512x1024xf32>
    %sub3A_226 = arith.subf %add3A_183, %sub3A_225 : vector<512x1024xf32>
    %exp3A_227 = math.exp %sub3A_226 : vector<512x1024xf32>
    %reduce_sum3A_228 = arith.constant dense<0.000000e+00> : vector<512xf32>
    %reduce_sum3A_229 = vector.multi_reduction <add>, %exp3A_227, %reduce_sum3A_228 [1] : vector<512x1024xf32> to vector<512xf32>
    %broadcast_in_dim3A_230 = vector.shape_cast %reduce_sum3A_229 : vector<512xf32> to vector<512x1xf32>
    %div3A_231 = arith.constant 1.000000e+00 : f32
    %div3A_232 = vector.broadcast %div3A_231 : f32 to vector<512x1xf32>
    %div3A_233 = arith.divf %div3A_232, %broadcast_in_dim3A_230 : vector<512x1xf32>
    %convert_element_type3A_234 = arith.truncf %exp3A_227 : vector<512x1024xf32> to vector<512x1024xbf16>
    %dot_general3A_235 = arith.constant dense<0.000000e+00> : vector<512x16xf32>
    %dot_general3A_236 = tpu.matmul %convert_element_type3A_234, %slice3A_221, %dot_general3A_235 {dimension_numbers = #tpu.dot_dimension_numbers<[1], [0], [0], [1], [0, 0, 1, 1], [], []>, transpose_lhs_hint = false} : vector<512x1024xbf16>, vector<1024x16xbf16>, vector<512x16xf32> -> vector<512x16xf32>
    %mul3A_237 = vector.broadcast %div3A_233 : vector<512x1xf32> to vector<512x16xf32>
    %mul3A_238 = arith.mulf %dot_general3A_236, %mul3A_237 : vector<512x16xf32>
    %slice3A_239 = vector.extract_strided_slice %mul3A_32 {offsets = [0, 96], sizes = [512, 16], strides = [1, 1]} : vector<512x128xf32> to vector<512x16xf32>
    %slice3A_240 = vector.extract_strided_slice %dot_general3A_34 {offsets = [0, 96], sizes = [1024, 16], strides = [1, 1]} : vector<1024x128xf32> to vector<1024x16xf32>
    %dot_general3A_241 = arith.constant dense<0.000000e+00> : vector<512x1024xf32>
    %dot_general3A_242 = tpu.matmul %slice3A_239, %slice3A_240, %dot_general3A_241 {dimension_numbers = #tpu.dot_dimension_numbers<[1], [1], [0], [0], [0, 0, 1, 0], [], []>, transpose_lhs_hint = false} : vector<512x16xf32>, vector<1024x16xf32>, vector<512x1024xf32> -> vector<512x1024xf32>
    %slice3A_243 = vector.extract_strided_slice %dot_general3A_44 {offsets = [0, 96], sizes = [32, 16], strides = [1, 1]} : vector<32x128xf32> to vector<32x16xf32>
    %dot_general3A_244 = arith.constant dense<0.000000e+00> : vector<512x32xf32>
    %dot_general3A_245 = tpu.matmul %slice3A_239, %slice3A_243, %dot_general3A_244 {dimension_numbers = #tpu.dot_dimension_numbers<[1], [1], [0], [0], [0, 0, 1, 0], [], []>, transpose_lhs_hint = false} : vector<512x16xf32>, vector<32x16xf32>, vector<512x32xf32> -> vector<512x32xf32>
    %lt3A_246 = arith.constant 0 : i32
    %lt3A_247 = vector.broadcast %lt3A_246 : i32 to vector<512x1024xi32>
    %lt3A_248 = arith.cmpi slt, %get3A_22, %lt3A_247 : vector<512x1024xi32>
    %add3A_249 = arith.constant 32 : i32
    %add3A_250 = vector.broadcast %add3A_249 : i32 to vector<512x1024xi32>
    %add3A_251 = arith.addi %get3A_22, %add3A_250 : vector<512x1024xi32>
    %select_n3A_252 = arith.select %lt3A_248, %add3A_251, %get3A_22 : vector<512x1024xi1>, vector<512x1024xi32>
    %reshape3A_253 = vector.shape_cast %select_n3A_252 : vector<512x1024xi32> to vector<512x1024x1xi32>
    %gather3A_254 = vector.shape_cast %reshape3A_253 : vector<512x1024x1xi32> to vector<512x1024xi32>
    %gather3A_255 = tpu.dynamic_gather %dot_general3A_245[%gather3A_254] in [1] : vector<512x32xf32>, vector<512x1024xi32> -> vector<512x1024xf32>
    %add3A_256 = arith.addf %dot_general3A_242, %gather3A_255 : vector<512x1024xf32>
    %add3A_257 = arith.addf %add3A_256, %mul3A_17 : vector<512x1024xf32>
    %slice3A_258 = vector.extract_strided_slice %convert_element_type3A_45 {offsets = [0, 80], sizes = [1024, 16], strides = [1, 1]} : vector<1024x128xbf16> to vector<1024x16xbf16>
    %reduce_max3A_259 = arith.constant dense<0xFF800000> : vector<512xf32>
    %reduce_max3A_260 = vector.multi_reduction <maximumf>, %add3A_220, %reduce_max3A_259 [1] : vector<512x1024xf32> to vector<512xf32>
    %broadcast_in_dim3A_261 = vector.shape_cast %reduce_max3A_260 : vector<512xf32> to vector<512x1xf32>
    %sub3A_262 = vector.broadcast %broadcast_in_dim3A_261 : vector<512x1xf32> to vector<512x1024xf32>
    %sub3A_263 = arith.subf %add3A_220, %sub3A_262 : vector<512x1024xf32>
    %exp3A_264 = math.exp %sub3A_263 : vector<512x1024xf32>
    %reduce_sum3A_265 = arith.constant dense<0.000000e+00> : vector<512xf32>
    %reduce_sum3A_266 = vector.multi_reduction <add>, %exp3A_264, %reduce_sum3A_265 [1] : vector<512x1024xf32> to vector<512xf32>
    %broadcast_in_dim3A_267 = vector.shape_cast %reduce_sum3A_266 : vector<512xf32> to vector<512x1xf32>
    %div3A_268 = arith.constant 1.000000e+00 : f32
    %div3A_269 = vector.broadcast %div3A_268 : f32 to vector<512x1xf32>
    %div3A_270 = arith.divf %div3A_269, %broadcast_in_dim3A_267 : vector<512x1xf32>
    %convert_element_type3A_271 = arith.truncf %exp3A_264 : vector<512x1024xf32> to vector<512x1024xbf16>
    %dot_general3A_272 = arith.constant dense<0.000000e+00> : vector<512x16xf32>
    %dot_general3A_273 = tpu.matmul %convert_element_type3A_271, %slice3A_258, %dot_general3A_272 {dimension_numbers = #tpu.dot_dimension_numbers<[1], [0], [0], [1], [0, 0, 1, 1], [], []>, transpose_lhs_hint = false} : vector<512x1024xbf16>, vector<1024x16xbf16>, vector<512x16xf32> -> vector<512x16xf32>
    %mul3A_274 = vector.broadcast %div3A_270 : vector<512x1xf32> to vector<512x16xf32>
    %mul3A_275 = arith.mulf %dot_general3A_273, %mul3A_274 : vector<512x16xf32>
    %slice3A_276 = vector.extract_strided_slice %mul3A_32 {offsets = [0, 112], sizes = [512, 16], strides = [1, 1]} : vector<512x128xf32> to vector<512x16xf32>
    %slice3A_277 = vector.extract_strided_slice %dot_general3A_34 {offsets = [0, 112], sizes = [1024, 16], strides = [1, 1]} : vector<1024x128xf32> to vector<1024x16xf32>
    %dot_general3A_278 = arith.constant dense<0.000000e+00> : vector<512x1024xf32>
    %dot_general3A_279 = tpu.matmul %slice3A_276, %slice3A_277, %dot_general3A_278 {dimension_numbers = #tpu.dot_dimension_numbers<[1], [1], [0], [0], [0, 0, 1, 0], [], []>, transpose_lhs_hint = false} : vector<512x16xf32>, vector<1024x16xf32>, vector<512x1024xf32> -> vector<512x1024xf32>
    %slice3A_280 = vector.extract_strided_slice %dot_general3A_44 {offsets = [0, 112], sizes = [32, 16], strides = [1, 1]} : vector<32x128xf32> to vector<32x16xf32>
    %dot_general3A_281 = arith.constant dense<0.000000e+00> : vector<512x32xf32>
    %dot_general3A_282 = tpu.matmul %slice3A_276, %slice3A_280, %dot_general3A_281 {dimension_numbers = #tpu.dot_dimension_numbers<[1], [1], [0], [0], [0, 0, 1, 0], [], []>, transpose_lhs_hint = false} : vector<512x16xf32>, vector<32x16xf32>, vector<512x32xf32> -> vector<512x32xf32>
    %lt3A_283 = arith.constant 0 : i32
    %lt3A_284 = vector.broadcast %lt3A_283 : i32 to vector<512x1024xi32>
    %lt3A_285 = arith.cmpi slt, %get3A_22, %lt3A_284 : vector<512x1024xi32>
    %add3A_286 = arith.constant 32 : i32
    %add3A_287 = vector.broadcast %add3A_286 : i32 to vector<512x1024xi32>
    %add3A_288 = arith.addi %get3A_22, %add3A_287 : vector<512x1024xi32>
    %select_n3A_289 = arith.select %lt3A_285, %add3A_288, %get3A_22 : vector<512x1024xi1>, vector<512x1024xi32>
    %reshape3A_290 = vector.shape_cast %select_n3A_289 : vector<512x1024xi32> to vector<512x1024x1xi32>
    %gather3A_291 = vector.shape_cast %reshape3A_290 : vector<512x1024x1xi32> to vector<512x1024xi32>
    %gather3A_292 = tpu.dynamic_gather %dot_general3A_282[%gather3A_291] in [1] : vector<512x32xf32>, vector<512x1024xi32> -> vector<512x1024xf32>
    %add3A_293 = arith.addf %dot_general3A_279, %gather3A_292 : vector<512x1024xf32>
    %add3A_294 = arith.addf %add3A_293, %mul3A_17 : vector<512x1024xf32>
    %slice3A_295 = vector.extract_strided_slice %convert_element_type3A_45 {offsets = [0, 96], sizes = [1024, 16], strides = [1, 1]} : vector<1024x128xbf16> to vector<1024x16xbf16>
    %reduce_max3A_296 = arith.constant dense<0xFF800000> : vector<512xf32>
    %reduce_max3A_297 = vector.multi_reduction <maximumf>, %add3A_257, %reduce_max3A_296 [1] : vector<512x1024xf32> to vector<512xf32>
    %broadcast_in_dim3A_298 = vector.shape_cast %reduce_max3A_297 : vector<512xf32> to vector<512x1xf32>
    %sub3A_299 = vector.broadcast %broadcast_in_dim3A_298 : vector<512x1xf32> to vector<512x1024xf32>
    %sub3A_300 = arith.subf %add3A_257, %sub3A_299 : vector<512x1024xf32>
    %exp3A_301 = math.exp %sub3A_300 : vector<512x1024xf32>
    %reduce_sum3A_302 = arith.constant dense<0.000000e+00> : vector<512xf32>
    %reduce_sum3A_303 = vector.multi_reduction <add>, %exp3A_301, %reduce_sum3A_302 [1] : vector<512x1024xf32> to vector<512xf32>
    %broadcast_in_dim3A_304 = vector.shape_cast %reduce_sum3A_303 : vector<512xf32> to vector<512x1xf32>
    %div3A_305 = arith.constant 1.000000e+00 : f32
    %div3A_306 = vector.broadcast %div3A_305 : f32 to vector<512x1xf32>
    %div3A_307 = arith.divf %div3A_306, %broadcast_in_dim3A_304 : vector<512x1xf32>
    %convert_element_type3A_308 = arith.truncf %exp3A_301 : vector<512x1024xf32> to vector<512x1024xbf16>
    %dot_general3A_309 = arith.constant dense<0.000000e+00> : vector<512x16xf32>
    %dot_general3A_310 = tpu.matmul %convert_element_type3A_308, %slice3A_295, %dot_general3A_309 {dimension_numbers = #tpu.dot_dimension_numbers<[1], [0], [0], [1], [0, 0, 1, 1], [], []>, transpose_lhs_hint = false} : vector<512x1024xbf16>, vector<1024x16xbf16>, vector<512x16xf32> -> vector<512x16xf32>
    %mul3A_311 = vector.broadcast %div3A_307 : vector<512x1xf32> to vector<512x16xf32>
    %mul3A_312 = arith.mulf %dot_general3A_310, %mul3A_311 : vector<512x16xf32>
    %slice3A_313 = vector.extract_strided_slice %convert_element_type3A_45 {offsets = [0, 112], sizes = [1024, 16], strides = [1, 1]} : vector<1024x128xbf16> to vector<1024x16xbf16>
    %reduce_max3A_314 = arith.constant dense<0xFF800000> : vector<512xf32>
    %reduce_max3A_315 = vector.multi_reduction <maximumf>, %add3A_294, %reduce_max3A_314 [1] : vector<512x1024xf32> to vector<512xf32>
    %broadcast_in_dim3A_316 = vector.shape_cast %reduce_max3A_315 : vector<512xf32> to vector<512x1xf32>
    %sub3A_317 = vector.broadcast %broadcast_in_dim3A_316 : vector<512x1xf32> to vector<512x1024xf32>
    %sub3A_318 = arith.subf %add3A_294, %sub3A_317 : vector<512x1024xf32>
    %exp3A_319 = math.exp %sub3A_318 : vector<512x1024xf32>
    %reduce_sum3A_320 = arith.constant dense<0.000000e+00> : vector<512xf32>
    %reduce_sum3A_321 = vector.multi_reduction <add>, %exp3A_319, %reduce_sum3A_320 [1] : vector<512x1024xf32> to vector<512xf32>
    %broadcast_in_dim3A_322 = vector.shape_cast %reduce_sum3A_321 : vector<512xf32> to vector<512x1xf32>
    %div3A_323 = arith.constant 1.000000e+00 : f32
    %div3A_324 = vector.broadcast %div3A_323 : f32 to vector<512x1xf32>
    %div3A_325 = arith.divf %div3A_324, %broadcast_in_dim3A_322 : vector<512x1xf32>
    %convert_element_type3A_326 = arith.truncf %exp3A_319 : vector<512x1024xf32> to vector<512x1024xbf16>
    %dot_general3A_327 = arith.constant dense<0.000000e+00> : vector<512x16xf32>
    %dot_general3A_328 = tpu.matmul %convert_element_type3A_326, %slice3A_313, %dot_general3A_327 {dimension_numbers = #tpu.dot_dimension_numbers<[1], [0], [0], [1], [0, 0, 1, 1], [], []>, transpose_lhs_hint = false} : vector<512x1024xbf16>, vector<1024x16xbf16>, vector<512x16xf32> -> vector<512x16xf32>
    %mul3A_329 = vector.broadcast %div3A_325 : vector<512x1xf32> to vector<512x16xf32>
    %mul3A_330 = arith.mulf %dot_general3A_328, %mul3A_329 : vector<512x16xf32>
    %concatenate3A = tpu.concatenate %mul3A_90, %mul3A_127, %mul3A_164, %mul3A_201, %mul3A_238, %mul3A_275, %mul3A_312, %mul3A_330 in 1 : vector<512x16xf32>, vector<512x16xf32>, vector<512x16xf32>, vector<512x16xf32>, vector<512x16xf32>, vector<512x16xf32>, vector<512x16xf32>, vector<512x16xf32> -> vector<512x128xf32>
    %get3A_331 = arith.constant 0 : index
    %get3A_332 = arith.constant 0 : index
    %get3A_333 = vector.load %arg10[%get3A_331, %get3A_332] : memref<128x128xf32, #tpu.memory_space<vmem>>, vector<128x128xf32>
    %dot_general3A_334 = arith.constant dense<0.000000e+00> : vector<512x128xf32>
    %dot_general3A_335 = tpu.matmul %concatenate3A, %get3A_333, %dot_general3A_334 {dimension_numbers = #tpu.dot_dimension_numbers<[1], [0], [0], [1], [0, 0, 1, 1], [], []>, transpose_lhs_hint = false} : vector<512x128xf32>, vector<128x128xf32>, vector<512x128xf32> -> vector<512x128xf32>
    %add3A_336 = arith.addf %get3A_3, %dot_general3A_335 : vector<512x128xf32>
    %get3A_337 = arith.constant 0 : index
    %get3A_338 = arith.constant 0 : index
    %get3A_339 = vector.load %arg15[%get3A_337, %get3A_338] : memref<1x128xf32, #tpu.memory_space<vmem>>, vector<1x128xf32>
    %get3A_340 = arith.constant 0 : index
    %get3A_341 = arith.constant 0 : index
    %get3A_342 = vector.load %arg16[%get3A_340, %get3A_341] : memref<1x128xf32, #tpu.memory_space<vmem>>, vector<1x128xf32>
    %reduce_sum3A_343 = arith.constant dense<0.000000e+00> : vector<512xf32>
    %reduce_sum3A_344 = vector.multi_reduction <add>, %add3A_336, %reduce_sum3A_343 [1] : vector<512x128xf32> to vector<512xf32>
    %broadcast_in_dim3A_345 = vector.shape_cast %reduce_sum3A_344 : vector<512xf32> to vector<512x1xf32>
    %div3A_346 = arith.constant 1.280000e+02 : f32
    %div3A_347 = vector.broadcast %div3A_346 : f32 to vector<512x1xf32>
    %div3A_348 = arith.divf %broadcast_in_dim3A_345, %div3A_347 : vector<512x1xf32>
    %jit3A = arith.constant 0 : i32
    %reduce_sum3A_349 = arith.constant dense<0.000000e+00> : vector<512xf32>
    %reduce_sum3A_350 = vector.multi_reduction <add>, %add3A_336, %reduce_sum3A_349 [1] : vector<512x128xf32> to vector<512xf32>
    %broadcast_in_dim3A_351 = vector.shape_cast %reduce_sum3A_350 : vector<512xf32> to vector<512x1xf32>
    %div3A_352 = arith.constant 1.280000e+02 : f32
    %div3A_353 = vector.broadcast %div3A_352 : f32 to vector<512x1xf32>
    %div3A_354 = arith.divf %broadcast_in_dim3A_351, %div3A_353 : vector<512x1xf32>
    %sub3A_355 = vector.broadcast %div3A_354 : vector<512x1xf32> to vector<512x128xf32>
    %sub3A_356 = arith.subf %add3A_336, %sub3A_355 : vector<512x128xf32>
    %square3A = arith.mulf %sub3A_356, %sub3A_356 : vector<512x128xf32>
    %convert_element_type3A_357 = arith.sitofp %jit3A : i32 to f32
    %sub3A_358 = arith.constant 1.280000e+02 : f32
    %sub3A_359 = arith.subf %sub3A_358, %convert_element_type3A_357 : f32
    %reduce_sum3A_360 = arith.constant dense<0.000000e+00> : vector<512xf32>
    %reduce_sum3A_361 = vector.multi_reduction <add>, %square3A, %reduce_sum3A_360 [1] : vector<512x128xf32> to vector<512xf32>
    %broadcast_in_dim3A_362 = vector.shape_cast %reduce_sum3A_361 : vector<512xf32> to vector<512x1xf32>
    %div3A_363 = vector.broadcast %sub3A_359 : f32 to vector<512x1xf32>
    %div3A_364 = arith.divf %broadcast_in_dim3A_362, %div3A_363 : vector<512x1xf32>
    %gt3A = arith.constant 0.000000e+00 : f32
    %gt3A_365 = arith.cmpf ogt, %sub3A_359, %gt3A : f32
    %jit3A_366 = arith.constant 0x7FC00000 : f32
    %broadcast_in_dim3A_367 = vector.broadcast %jit3A_366 : f32 to vector<512x1xf32>
    %select_n3A_368 = arith.select %gt3A_365, %div3A_364, %broadcast_in_dim3A_367 : vector<512x1xf32>
    %sub3A_369 = vector.broadcast %div3A_348 : vector<512x1xf32> to vector<512x128xf32>
    %sub3A_370 = arith.subf %add3A_336, %sub3A_369 : vector<512x128xf32>
    %add3A_371 = arith.constant 9.99999974E-6 : f32
    %add3A_372 = vector.broadcast %add3A_371 : f32 to vector<512x1xf32>
    %add3A_373 = arith.addf %select_n3A_368, %add3A_372 : vector<512x1xf32>
    %sqrt3A = math.sqrt %add3A_373 : vector<512x1xf32>
    %div3A_374 = vector.broadcast %sqrt3A : vector<512x1xf32> to vector<512x128xf32>
    %div3A_375 = arith.divf %sub3A_370, %div3A_374 : vector<512x128xf32>
    %mul3A_376 = vector.broadcast %get3A_339 : vector<1x128xf32> to vector<512x128xf32>
    %mul3A_377 = arith.mulf %div3A_375, %mul3A_376 : vector<512x128xf32>
    %add3A_378 = vector.broadcast %get3A_342 : vector<1x128xf32> to vector<512x128xf32>
    %add3A_379 = arith.addf %mul3A_377, %add3A_378 : vector<512x128xf32>
    %get3A_380 = arith.constant 0 : index
    %get3A_381 = arith.constant 0 : index
    %get3A_382 = vector.load %arg11[%get3A_380, %get3A_381] : memref<128x512xf32, #tpu.memory_space<vmem>>, vector<128x512xf32>
    %dot_general3A_383 = arith.constant dense<0.000000e+00> : vector<512x512xf32>
    %dot_general3A_384 = tpu.matmul %add3A_379, %get3A_382, %dot_general3A_383 {dimension_numbers = #tpu.dot_dimension_numbers<[1], [0], [0], [1], [0, 0, 1, 1], [], []>, transpose_lhs_hint = false} : vector<512x128xf32>, vector<128x512xf32>, vector<512x512xf32> -> vector<512x512xf32>
    %get3A_385 = arith.constant 0 : index
    %get3A_386 = arith.constant 0 : index
    %get3A_387 = vector.load %arg12[%get3A_385, %get3A_386] : memref<1x512xf32, #tpu.memory_space<vmem>>, vector<1x512xf32>
    %add3A_388 = vector.broadcast %get3A_387 : vector<1x512xf32> to vector<512x512xf32>
    %add3A_389 = arith.addf %dot_general3A_384, %add3A_388 : vector<512x512xf32>
    %max3A = arith.constant 0.000000e+00 : f32
    %max3A_390 = vector.broadcast %max3A : f32 to vector<512x512xf32>
    %max3A_391 = arith.maximumf %add3A_389, %max3A_390 : vector<512x512xf32>
    %get3A_392 = arith.constant 0 : index
    %get3A_393 = arith.constant 0 : index
    %get3A_394 = vector.load %arg13[%get3A_392, %get3A_393] : memref<512x128xf32, #tpu.memory_space<vmem>>, vector<512x128xf32>
    %dot_general3A_395 = arith.constant dense<0.000000e+00> : vector<512x128xf32>
    %dot_general3A_396 = tpu.matmul %max3A_391, %get3A_394, %dot_general3A_395 {dimension_numbers = #tpu.dot_dimension_numbers<[1], [0], [0], [1], [0, 0, 1, 1], [], []>, transpose_lhs_hint = false} : vector<512x512xf32>, vector<512x128xf32>, vector<512x128xf32> -> vector<512x128xf32>
    %get3A_397 = arith.constant 0 : index
    %get3A_398 = arith.constant 0 : index
    %get3A_399 = vector.load %arg14[%get3A_397, %get3A_398] : memref<1x128xf32, #tpu.memory_space<vmem>>, vector<1x128xf32>
    %add3A_400 = vector.broadcast %get3A_399 : vector<1x128xf32> to vector<512x128xf32>
    %add3A_401 = arith.addf %dot_general3A_396, %add3A_400 : vector<512x128xf32>
    %add3A_402 = arith.addf %add3A_379, %add3A_401 : vector<512x128xf32>
    %get3A_403 = arith.constant 0 : index
    %get3A_404 = arith.constant 0 : index
    %get3A_405 = vector.load %arg17[%get3A_403, %get3A_404] : memref<1x128xf32, #tpu.memory_space<vmem>>, vector<1x128xf32>
    %get3A_406 = arith.constant 0 : index
    %get3A_407 = arith.constant 0 : index
    %get3A_408 = vector.load %arg18[%get3A_406, %get3A_407] : memref<1x128xf32, #tpu.memory_space<vmem>>, vector<1x128xf32>
    %reduce_sum3A_409 = arith.constant dense<0.000000e+00> : vector<512xf32>
    %reduce_sum3A_410 = vector.multi_reduction <add>, %add3A_402, %reduce_sum3A_409 [1] : vector<512x128xf32> to vector<512xf32>
    %broadcast_in_dim3A_411 = vector.shape_cast %reduce_sum3A_410 : vector<512xf32> to vector<512x1xf32>
    %div3A_412 = arith.constant 1.280000e+02 : f32
    %div3A_413 = vector.broadcast %div3A_412 : f32 to vector<512x1xf32>
    %div3A_414 = arith.divf %broadcast_in_dim3A_411, %div3A_413 : vector<512x1xf32>
    %jit3A_415 = arith.constant 0 : i32
    %reduce_sum3A_416 = arith.constant dense<0.000000e+00> : vector<512xf32>
    %reduce_sum3A_417 = vector.multi_reduction <add>, %add3A_402, %reduce_sum3A_416 [1] : vector<512x128xf32> to vector<512xf32>
    %broadcast_in_dim3A_418 = vector.shape_cast %reduce_sum3A_417 : vector<512xf32> to vector<512x1xf32>
    %div3A_419 = arith.constant 1.280000e+02 : f32
    %div3A_420 = vector.broadcast %div3A_419 : f32 to vector<512x1xf32>
    %div3A_421 = arith.divf %broadcast_in_dim3A_418, %div3A_420 : vector<512x1xf32>
    %sub3A_422 = vector.broadcast %div3A_421 : vector<512x1xf32> to vector<512x128xf32>
    %sub3A_423 = arith.subf %add3A_402, %sub3A_422 : vector<512x128xf32>
    %square3A_424 = arith.mulf %sub3A_423, %sub3A_423 : vector<512x128xf32>
    %convert_element_type3A_425 = arith.sitofp %jit3A_415 : i32 to f32
    %sub3A_426 = arith.constant 1.280000e+02 : f32
    %sub3A_427 = arith.subf %sub3A_426, %convert_element_type3A_425 : f32
    %reduce_sum3A_428 = arith.constant dense<0.000000e+00> : vector<512xf32>
    %reduce_sum3A_429 = vector.multi_reduction <add>, %square3A_424, %reduce_sum3A_428 [1] : vector<512x128xf32> to vector<512xf32>
    %broadcast_in_dim3A_430 = vector.shape_cast %reduce_sum3A_429 : vector<512xf32> to vector<512x1xf32>
    %div3A_431 = vector.broadcast %sub3A_427 : f32 to vector<512x1xf32>
    %div3A_432 = arith.divf %broadcast_in_dim3A_430, %div3A_431 : vector<512x1xf32>
    %gt3A_433 = arith.constant 0.000000e+00 : f32
    %gt3A_434 = arith.cmpf ogt, %sub3A_427, %gt3A_433 : f32
    %jit3A_435 = arith.constant 0x7FC00000 : f32
    %broadcast_in_dim3A_436 = vector.broadcast %jit3A_435 : f32 to vector<512x1xf32>
    %select_n3A_437 = arith.select %gt3A_434, %div3A_432, %broadcast_in_dim3A_436 : vector<512x1xf32>
    %sub3A_438 = vector.broadcast %div3A_414 : vector<512x1xf32> to vector<512x128xf32>
    %sub3A_439 = arith.subf %add3A_402, %sub3A_438 : vector<512x128xf32>
    %add3A_440 = arith.constant 9.99999974E-6 : f32
    %add3A_441 = vector.broadcast %add3A_440 : f32 to vector<512x1xf32>
    %add3A_442 = arith.addf %select_n3A_437, %add3A_441 : vector<512x1xf32>
    %sqrt3A_443 = math.sqrt %add3A_442 : vector<512x1xf32>
    %div3A_444 = vector.broadcast %sqrt3A_443 : vector<512x1xf32> to vector<512x128xf32>
    %div3A_445 = arith.divf %sub3A_439, %div3A_444 : vector<512x128xf32>
    %mul3A_446 = vector.broadcast %get3A_405 : vector<1x128xf32> to vector<512x128xf32>
    %mul3A_447 = arith.mulf %div3A_445, %mul3A_446 : vector<512x128xf32>
    %add3A_448 = vector.broadcast %get3A_408 : vector<1x128xf32> to vector<512x128xf32>
    %add3A_449 = arith.addf %mul3A_447, %add3A_448 : vector<512x128xf32>
    %swap3A = arith.constant 0 : index
    %swap3A_450 = arith.constant 0 : index
    %swap3A_451 = arith.constant 0 : index
    %swap3A_452 = vector.load %arg19[%swap3A, %swap3A_450, %swap3A_451] : memref<1x512x128xf32, #tpu.memory_space<vmem>>, vector<1x512x128xf32>
    %swap3A_453 = vector.shape_cast %swap3A_452 : vector<1x512x128xf32> to vector<512x128xf32>
    %swap3A_454 = vector.shape_cast %add3A_449 : vector<512x128xf32> to vector<1x512x128xf32>
    tpu.vector_store %arg19[%swap3A, %swap3A_450, %swap3A_451], %swap3A_454 {strides = array<i32>} : memref<1x512x128xf32, #tpu.memory_space<vmem>>, vector<1x512x128xf32>,
    return
  }
  func.func @transform_0(%arg0: i32, %arg1: i32) -> (i32, i32, i32) {
    %c0_i32 = arith.constant 0 : i32
    %c0_i32_0 = arith.constant 0 : i32
    return %arg0, %arg1, %c0_i32 : i32, i32, i32
  }
  func.func @transform_1(%arg0: i32, %arg1: i32) -> (i32, i32, i32) {
    %c0_i32 = arith.constant 0 : i32
    %c0_i32_0 = arith.constant 0 : i32
    %c0_i32_1 = arith.constant 0 : i32
    return %arg0, %c0_i32, %c0_i32_0 : i32, i32, i32
  }
  func.func @transform_2(%arg0: i32, %arg1: i32) -> (i32, i32, i32) {
    %c0_i32 = arith.constant 0 : i32
    %c0_i32_0 = arith.constant 0 : i32
    return %arg0, %arg1, %c0_i32 : i32, i32, i32
  }
  func.func @transform_3(%arg0: i32, %arg1: i32) -> (i32, i32, i32) {
    %c0_i32 = arith.constant 0 : i32
    %c0_i32_0 = arith.constant 0 : i32
    return %arg0, %arg1, %c0_i32 : i32, i32, i32
  }
  func.func @transform_4(%arg0: i32, %arg1: i32) -> (i32, i32) {
    %c0_i32 = arith.constant 0 : i32
    %c0_i32_0 = arith.constant 0 : i32
    %c0_i32_1 = arith.constant 0 : i32
    return %c0_i32, %c0_i32_0 : i32, i32
  }
  func.func @transform_5(%arg0: i32, %arg1: i32) -> (i32, i32) {
    %c0_i32 = arith.constant 0 : i32
    %c0_i32_0 = arith.constant 0 : i32
    %c0_i32_1 = arith.constant 0 : i32
    return %c0_i32, %c0_i32_0 : i32, i32
  }
  func.func @transform_6(%arg0: i32, %arg1: i32) -> (i32, i32) {
    %c0_i32 = arith.constant 0 : i32
    %c0_i32_0 = arith.constant 0 : i32
    %c0_i32_1 = arith.constant 0 : i32
    return %c0_i32, %c0_i32_0 : i32, i32
  }
  func.func @transform_7(%arg0: i32, %arg1: i32) -> (i32, i32) {
    %c0_i32 = arith.constant 0 : i32
    %c0_i32_0 = arith.constant 0 : i32
    %c0_i32_1 = arith.constant 0 : i32
    return %c0_i32, %c0_i32_0 : i32, i32
  }
  func.func @transform_8(%arg0: i32, %arg1: i32) -> (i32, i32) {
    %c0_i32 = arith.constant 0 : i32
    %c0_i32_0 = arith.constant 0 : i32
    %c0_i32_1 = arith.constant 0 : i32
    return %c0_i32, %c0_i32_0 : i32, i32
  }
  func.func @transform_9(%arg0: i32, %arg1: i32) -> (i32, i32) {
    %c0_i32 = arith.constant 0 : i32
    %c0_i32_0 = arith.constant 0 : i32
    %c0_i32_1 = arith.constant 0 : i32
    return %c0_i32, %c0_i32_0 : i32, i32
  }
  func.func @transform_10(%arg0: i32, %arg1: i32) -> (i32, i32) {
    %c0_i32 = arith.constant 0 : i32
    %c0_i32_0 = arith.constant 0 : i32
    %c0_i32_1 = arith.constant 0 : i32
    return %c0_i32, %c0_i32_0 : i32, i32
  }
  func.func @transform_11(%arg0: i32, %arg1: i32) -> (i32, i32) {
    %c0_i32 = arith.constant 0 : i32
    %c0_i32_0 = arith.constant 0 : i32
    %c0_i32_1 = arith.constant 0 : i32
    return %c0_i32, %c0_i32_0 : i32, i32
  }
  func.func @transform_12(%arg0: i32, %arg1: i32) -> (i32, i32) {
    %c0_i32 = arith.constant 0 : i32
    %c0_i32_0 = arith.constant 0 : i32
    %c0_i32_1 = arith.constant 0 : i32
    return %c0_i32, %c0_i32_0 : i32, i32
  }
  func.func @transform_13(%arg0: i32, %arg1: i32) -> (i32, i32) {
    %c0_i32 = arith.constant 0 : i32
    %c0_i32_0 = arith.constant 0 : i32
    %c0_i32_1 = arith.constant 0 : i32
    return %c0_i32, %c0_i32_0 : i32, i32
  }
  func.func @transform_14(%arg0: i32, %arg1: i32) -> (i32, i32) {
    %c0_i32 = arith.constant 0 : i32
    %c0_i32_0 = arith.constant 0 : i32
    %c0_i32_1 = arith.constant 0 : i32
    return %c0_i32, %c0_i32_0 : i32, i32
  }
  func.func @transform_15(%arg0: i32, %arg1: i32) -> (i32, i32) {
    %c0_i32 = arith.constant 0 : i32
    %c0_i32_0 = arith.constant 0 : i32
    %c0_i32_1 = arith.constant 0 : i32
    return %c0_i32, %c0_i32_0 : i32, i32
  }
  func.func @transform_16(%arg0: i32, %arg1: i32) -> (i32, i32) {
    %c0_i32 = arith.constant 0 : i32
    %c0_i32_0 = arith.constant 0 : i32
    %c0_i32_1 = arith.constant 0 : i32
    return %c0_i32, %c0_i32_0 : i32, i32
  }
  func.func @transform_17(%arg0: i32, %arg1: i32) -> (i32, i32, i32) {
    %c0_i32 = arith.constant 0 : i32
    %c0_i32_0 = arith.constant 0 : i32
    return %arg0, %arg1, %c0_i32 : i32, i32, i32
  }
}

</mosaic_0001>

<sc_bundles>
// kernel: kernel.5.cloned.1.call-start
scs
__scs_entry_jumppad:
0x0: {  	(pc) =	sbr.rel $0x88, $3  }
0x1: {  	(tag) =	ssettag $0x0;
	lr =	simm.s32 $0x1  }
0x2: {  	[smem:$0x3F8E] =	sst lr;
	_ =	strace $0xD0000000  }
0x3: {  	_ = 	snop  }
0x4: {  	_ = 	snop  }
0x5: {  	_ = 	snop  }
0x6: {  	_ = 	snop  }
0x7: {  	_ = 	snop  }
__scs_overlays_trampoline_lowered:
0x8: {  	[smem:$0x3F9D] =	sst s0  }
0x9: {  	[smem:$0x3F9E] =	sst s1  }
0xa: {  	[smem:$0x3F9F] =	sst s2  }
0xb: {  	[smem:$0x3FA0] =	sst s3  }
0xc: {  	[smem:$0x3FA1] =	sst s4  }
0xd: {  	[smem:$0x3FA2] =	sst s5  }
0xe: {  	[smem:$0x3FA3] =	sst s6  }
0xf: {  	[smem:$0x3FA4] =	sst s7  }
0x10: {  	[smem:$0x3FA5] =	sst s8  }
0x11: {  	[smem:$0x3FA6] =	sst s9;
	s0 =	simm.s32 @!p0 $0x0  }
0x12: {  	s1 =	sld [smem:$0x3F8C];
	s0 =	simm.s32 @p0 $0x1  }
0x13: {  	[smem:$0x3FA7] =	sst s0;
	s0 =	simm.s32 @!p1 $0x0  }
0x14: {  	s2 =	sld [smem:$0x3F8B];
	s0 =	simm.s32 @p1 $0x1  }
0x15: {  	[smem:$0x3FA8] =	sst s0;
	s0 =	simm.s32 @!p2 $0x0  }
0x16: {  	s3 =	sld [smem:$0x3FDB];
	s0 =	simm.s32 @p2 $0x1  }
0x17: {  	s4 =	simm.s32 $0x1BF5;
	[smem:$0x3FAA] =	sst s0  }
0x18: {  	s0 =	sld [smem:$0x3F8D];
	_ =	swait.ge [sflag:s4], $0x0  }
0x19: {  	s7 =	sld [smem:$0x3F8E]  }
0x1a: {  	s8 =	sadd.s32 $0xFFFFE003, lr  }
0x1b: {  	s9 =	sadd.s32 $0xFFFFFEF7, lr;
	s5 =	simm.s32 $0xFFFFFFFF;
	p2 =	slt.u32 s8, $0xFFFFF086  }
0x1c: {  	p1 =	slt.u32 s9, $0xF7A;
	s5 =	simm.s32 @!p2 $0x0  }
0x1d: {  	s5 =	simm.s32 @p1 $0x1;
	p0 =	seq.s32 s7, s2  }
0x1e: {  	s7 =	smul.u32 @!p0 $0xF7A, s2;
	p2 =	seq.s32 @!p0 s5, $0x0  }
0x1f: {  	s9 =	smul.u32 $0xF7A, s1;
	s8 =	simm.s32 @!p0 $0x1BF5;
	p2 =	por !p2, p0  }
0x20: {  	[sflag:s8] =	ssyncset.s32 @!p0 $0xFFFFF086;
	s6 =	sadd.s32 @!p0 s3, s7;
	s7 =	simm.s32 @!p0 $0x108  }
0x21: {  	s3 =	sadd.s32 s3, s9;
	s6 =	sadd.s32 @!p0 $0x88, s6;
	s7 =	simm.s32 @p2 $0x1082  }
0x22: {  	[simem:s7], [sflag:s8] =	dma.local @!p0 [hbm:s6], $0xF7A  }
0x23: {  	s9 =	sor.u32 $0xD0000000, s2;
	s6 =	simm.s32 $0x108;
	_ =	swait.ge @!p0 [sflag:s8], $0x0  }
0x24: {  	s3 =	sadd.s32 $0x88, s3;
	s6 =	simm.s32 @!p1 $0x1082;
	[sflag:s4] =	ssyncset.s32 $0xFFFFF086  }
0x25: {  	[simem:s6], [sflag:s4] =	dma.local [hbm:s3], $0xF7A  }
0x26: {  	[smem:$0x3F8E] =	sst s1;
	(tag) =	ssettag s2;
	_ =	strace s9  }
0x27: {  	s1 =	sld [smem:$0x3F9E]  }
0x28: {  	s2 =	sld [smem:$0x3F9F]  }
0x29: {  	s4 =	sld [smem:$0x3FA1]  }
0x2a: {  	p0 =	seq.s32 s5, $0x0;
	s5 =	sld [smem:$0x3FA2]  }
0x2b: {  	s6 =	sld [smem:$0x3FA3]  }
0x2c: {  	s7 =	sld [smem:$0x3FA4]  }
0x2d: {  	s3 =	simm.s32 $0x108;
	s8 =	sld [smem:$0x3FA5]  }
0x2e: {  	s3 =	simm.s32 @!p0 $0x1082;
	s9 =	sld [smem:$0x3FA6]  }
0x2f: {  	lr =	sadd.s32 s0, s3;
	s0 =	sld [smem:$0x3F9D]  }
0x30: {  	s3 =	sld [smem:$0x3FA0]  }
0x31: {  	[smem:$0x3FA9] =	sst s10  }
0x32: {  	s10 =	sld [smem:$0x3FA7];
	_ =	sdelay $0x3  }
0x33: {  	p0 =	seq.s32 s10, $0x1;
	s10 =	sld [smem:$0x3FA9];
	_ =	sdelay $0x3  }
0x34: {  	[smem:$0x3FA9] =	sst s10  }
0x35: {  	s10 =	sld [smem:$0x3FA8];
	_ =	sdelay $0x3  }
0x36: {  	p1 =	seq.s32 s10, $0x1;
	s10 =	sld [smem:$0x3FA9];
	_ =	sdelay $0x3  }
0x37: {  	[smem:$0x3FA9] =	sst s10  }
0x38: {  	s10 =	sld [smem:$0x3FAA]  }
0x39: {  	_ = 	snop;
	(pc) =	sbr.ind lr, $3  }
0x3a: {  	_ = 	snop  }
0x3b: {  	_ = 	snop  }
0x3c: {  	p2 =	seq.s32 s10, $0x1;
	s10 =	sld [smem:$0x3FA9]  }
0x3d: {  	_ =	shalt  }
0x3e: {  	_ =	shalt  }
0x3f: {  	_ =	shalt  }
0x40: {  	_ =	shalt  }
0x41: {  	_ =	shalt  }
0x42: {  	_ =	shalt  }
0x43: {  	_ =	shalt  }
0x44: {  	_ =	shalt  }
0x45: {  	_ =	shalt  }
0x46: {  	_ =	shalt  }
0x47: {  	_ =	shalt  }
0x48: {  	_ =	shalt  }
0x49: {  	_ =	shalt  }
0x4a: {  	_ =	shalt  }
0x4b: {  	_ =	shalt  }
0x4c: {  	_ =	shalt  }
0x4d: {  	_ =	shalt  }
0x4e: {  	_ =	shalt  }
0x4f: {  	_ =	shalt  }
0x50: {  	_ =	shalt  }
0x51: {  	_ =	shalt  }
0x52: {  	_ =	shalt  }
0x53: {  	_ =	shalt  }
0x54: {  	_ =	shalt  }
0x55: {  	_ =	shalt  }
0x56: {  	_ =	shalt  }
0x57: {  	_ =	shalt  }
0x58: {  	_ =	shalt  }
0x59: {  	_ =	shalt  }
0x5a: {  	_ =	shalt  }
0x5b: {  	_ =	shalt  }
0x5c: {  	_ =	shalt  }
0x5d: {  	_ =	shalt  }
0x5e: {  	_ =	shalt  }
0x5f: {  	_ =	shalt  }
0x60: {  	_ =	shalt  }
0x61: {  	_ =	shalt  }
0x62: {  	_ =	shalt  }
0x63: {  	_ =	shalt  }
0x64: {  	_ =	shalt  }
0x65: {  	_ =	shalt  }
0x66: {  	_ =	shalt  }
0x67: {  	_ =	shalt  }
0x68: {  	_ =	shalt  }
0x69: {  	_ =	shalt  }
0x6a: {  	_ =	shalt  }
0x6b: {  	_ =	shalt  }
0x6c: {  	_ =	shalt  }
0x6d: {  	_ =	shalt  }
0x6e: {  	_ =	shalt  }
0x6f: {  	_ =	shalt  }
0x70: {  	_ =	shalt  }
0x71: {  	_ =	shalt  }
0x72: {  	_ =	shalt  }
0x73: {  	_ =	shalt  }
0x74: {  	_ =	shalt  }
0x75: {  	_ =	shalt  }
0x76: {  	_ =	shalt  }
0x77: {  	_ =	shalt  }
0x78: {  	_ =	shalt  }
0x79: {  	_ =	shalt  }
0x7a: {  	_ =	shalt  }
0x7b: {  	_ =	shalt  }
0x7c: {  	_ =	shalt  }
0x7d: {  	_ =	shalt  }
0x7e: {  	_ =	shalt  }
0x7f: {  	_ =	shalt  }
0x80: {  	_ =	shalt  }
0x81: {  	_ =	shalt  }
0x82: {  	_ =	shalt  }
0x83: {  	_ =	shalt  }
0x84: {  	_ =	shalt  }
0x85: {  	_ =	shalt  }
0x86: {  	_ =	shalt  }
0x87: {  	_ =	shalt  }
.Lfunc_end0:
.L_simem_size_0:
called_computation_lowered:
.L_overlay_start_0:
0x88: {  	s2 =	sld [smem:$0x3FD9]  }
0x89: {  	s3 =	sld [smem:$0x3FFE];
	_ =	sdelay $0x1  }
0x8a: {  	s1 =	srdreg.scid  }
0x8b: {  	s0 =	sand.u32 $0x1, s1  }
0x8c: {  	s17 =	sshll.u32 s0, $0xA;
	s2 =	sadd.s32 s3, s2  }
0x8d: {  	s2 =	sadd.s32 s2, s17  }
0x8e: {  	[smem:$0x3FB5] =	sst s2  }
0x8f: {  	_ = 	snop  }
0x90: {  	s2 =	sld [smem:$0x3FC5]  }
0x91: {  	s18 =	sld [smem:$0x3FC4]  }
0x92: {  	s4 =	sld [smem:$0x3FD0];
	(tm) =	ssettm $0x1  }
0x93: {  	s5 =	sld [smem:$0x3FFB];
	_ =	sdelay $0x3  }
0x94: {  	_ =	strace s5  }
0x95: {  	s5 =	sld [smem:$0x3FFC];
	_ =	sdelay $0x3  }
0x96: {  	_ =	strace s5  }
0x97: {  	s5 =	sld [smem:$0x3FFD];
	_ =	sdelay $0x3  }
0x98: {  	_ =	strace s5  }
0x99: {  	_ =	strace $0x8FFFFFFF  }
0x9a: {  	s19 =	sld [smem:$0x3FDB];
	_ =	sdelay $0x1  }
0x9b: {  	s6 =	simm.s32 $_scs_section_size  }
0x9c: {  	s7 =	simm.s32 $_size__tile_overlayer_lowered;
	s8 =	simm.s32 $_tile_overlayer_lowered  }
0x9d: {  	s22 =	simm.s32 $0x1BFF;
	s21 =	sshll.u32 s8, $0x1;
	s5 =	sadd.s32 s6, s19  }
0x9e: {  	s9 =	simm.s32 $0x0;
	s20 =	sshll.u32 s7, $0x1;
	s7 =	sadd.s32 s21, s5  }
0x9f: {  	[timem:s9], [sflag:s22] =	dma.local [hbm:s7], s20  }
0xa0: {  	_ =	swait.ge [sflag:s22], s20  }
0xa1: {  	s6 =	ssub.s32 $0x0, s20;
	[sflag:s22] =	ssyncset.done $0x0  }
0xa2: {  	[sflag:s22] =	ssyncadd.s32 s6;
	_ =	sdelay $0x1  }
0xa3: {  	s23 =	simm.s32 $0x1B8B  }
0xa4: {  	_ =	swait.ge [sflag:s23], $0x1  }
0xa5: {  	[sflag:s23] =	ssyncset.done $0x0  }
0xa6: {  	s25 =	simm.s32 $0x1B8E;
	s24 =	sld [smem:$0x3FFE];
	[sflag:s23] =	ssyncadd.s32 $0xFFFFFFFF  }
0xa7: {  	s26 =	simm.s32 $execute0_lowered;
	[smem:$0x3FD2] =	sst s25  }
0xa8: {  	s7 =	sshll.u32 s26, $0x1;
	_ =	strace $0x80000046;
	[dreg:$0x1] =	wrdreg $0xFFFFFFFF  }
0xa9: {  	s28 =	simm.s32 $_size_execute0_lowered;
	s5 =	sadd.s32 s5, s7;
	[dreg:$0x0] =	wrdreg $0x0  }
0xaa: {  	s7 =	sshll.u32 s28, $0x1;
	[dreg:$0x2] =	wrdreg s5  }
0xab: {  	[dreg:$0x3] =	wrdreg s7  }
0xac: {  	[dreg:$0x4] =	wrdreg $0xC0  }
0xad: {  	_ =	task [dreg:s9], $0x5FFFF  }
0xae: {  	[dreg:$0x1] =	wrdreg $0xFFFFFFFF  }
0xaf: {  	[dreg:$0x0] =	wrdreg $0x60  }
0xb0: {  	[dreg:$0x2] =	wrdreg s2  }
0xb1: {  	[dreg:$0x3] =	wrdreg s18  }
0xb2: {  	[dreg:$0x4] =	wrdreg s24  }
0xb3: {  	[dreg:$0x5] =	wrdreg s4  }
0xb4: {  	[dreg:$0x6] =	wrdreg $0x9  }
0xb5: {  	_ =	task.clear_ibuf [dreg:s9], $0x7FFFF;
	_ =	strace $0x90000046  }
0xb6: {  	s29 =	simm.s32 $0x9;
	_ =	strace $0x80000048  }
0xb7: {  	_ =	swait.ge [sflag:s29], $0x1  }
0xb8: {  	[sflag:s29] =	ssyncadd.s32 $0xFFFFFFFF  }
0xb9: {  	_ =	strace $0x90000048  }
0xba: {  	_ =	sfence  }
0xbb: {  	s30 =	sld [smem:$0x0];
	_ =	sdelay $0x2  }
0xbc: {  	s31 =	sshll.u32 s1, $0xD;
	s1 =	sshrl.u32 s1, $0x2  }
0xbd: {  	s3 =	sand.u32 $0x4000, s31;
	s1 =	sadd.s32 s1, s30  }
0xbe: {  	s0 =	sor.u32 s3, s0;
	s1 =	sshll.u32 s1, $0x11  }
0xbf: {  	s0 =	sor.u32 s1, s0  }
0xc0: {  	s0 =	sadd.s32 $0x8F2B, s0  }
0xc1: {  	[sflag:s0] =	ssyncadd.remote.s32 $0x1  }
0xc2: {  	_ =	sfence.sel $0xFFFF  }
0xc3: {  	[dreg:$0x0] =	wrdreg $0xFFFFFFFF;
	(pc) =	sbr.abs _section_cstart, $3  }
0xc4: {  	[dreg:$0x1] =	wrdreg $0xFFFFFFFF  }
0xc5: {  	_ =	task.clear_ibuf [dreg:s9], $0x2FFFF;
	_ =	strace $0x9FFFFFFF  }
0xc6: {  	(tm) =	ssettm $0x7FFFFFFF  }
0xc7: {  	_ =	shalt  }
tec
execute0_lowered:
.L_overlay_start_1:
0x0: {  	(tag) =	ssettag $0x1  }
0x1: {  	s0 =	rddreg [dreg:$0x0]  }
0x2: {  	s3 =	rddreg [dreg:$0x1]  }
0x3: {  	s5 =	rddreg [dreg:$0x2];
	s1 =	srdreg.scid  }
0x4: {  	s7 =	rddreg [dreg:$0x3];
	s2 =	stileid.u32;
	s4 =	simm.s32 $0x0  }
0x5: {  	s11 =	simm.s32 $0x40;
	s12 =	simm.s32 $0x100;
	s13 =	simm.s32 $0x1  }
0x6: {  	s14 =	simm.s32 $0x2100;
	s15 =	simm.s32 $0x0;
	s6 =	sand.u32 $0x1, s1  }
0x7: {  	s1 =	rddreg [dreg:$0x4];
	s8 =	sshll.u32 s2, $0x7;
	s9 =	sshll.u32 s6, $0x6  }
0x8: {  	[smem:$0x7FF] =	sst s4;
	s6 =	ssub.s32 $0x2, s6;
	s8 =	sor.u32 s9, s8  }
0x9: {  	_ =	strace $0x80000047;
	s10 =	sshrl.u32 s6, $0x1;
	s9 =	sshrl.u32 s8, $0x3  }
0xa: {  	s10 =	ssub.s32 s6, s10;
	s8 =	sshll.u32 s8, $0x4;
	s9 =	sadd.s32 s9, s5  }
0xb: {  	s7 =	sadd.s32 s7, s8;
	s8 =	smax.u32 s10, $0x1;
	s10 =	simm.s32 $0x80  }
0xc: {  	s5 =	sadd.s32 $0x3E00, s9;
	s6 =	sadd.s32 $0x3C00, s9;
	s9 =	simm.s32 $0x2  }
.LBB2_1:
0xd: {  	[tilespmem:s4], [sflag:$0x2] =	stream.linear.gather [hbm4b:s5+s4], $0x40, $0x38;
	[tilespmem:$0x4100] =	vst v63  }
0xe: {  	_ =	swait.ge [sflag:s9], $0x40  }
0xf: {  	[sflag:s9] =	ssyncset.done $0x0  }
0x10: {  	[sflag:s9] =	ssyncadd.s32 $0xFFFFFFC0  }
0x11: {  	[tilespmem:s10], [sflag:$0x2] =	stream.linear.gather [hbm4b:s6+s4], $0x40, $0x38;
	[tilespmem:$0x4100] =	vst v63  }
0x12: {  	_ =	swait.ge [sflag:s9], $0x40  }
0x13: {  	[sflag:s9] =	ssyncset.done $0x0  }
0x14: {  	[sflag:s9] =	ssyncadd.s32 $0xFFFFFFC0  }
0x15: {  	[tilespmem:s12], [sflag:$0x1] =	stream.indirect.gather [hbm4b:s0+s11], $0x80, s4, s11, $0xb8;
	[tilespmem:$0x4100] =	vst v63  }
0x16: {  	_ =	swait.ge [sflag:s13], $0x2000  }
0x17: {  	[sflag:s13] =	ssyncset.done $0x0  }
0x18: {  	[sflag:s13] =	ssyncadd.s32 $0xFFFFE000  }
0x19: {  	[tilespmem:s14], [sflag:$0x1] =	stream.indirect.gather [hbm4b:s3+s11], $0x80, s10, s11, $0xb8;
	[tilespmem:$0x4100] =	vst v63  }
0x1a: {  	_ =	swait.ge [sflag:s13], $0x2000  }
0x1b: {  	[sflag:s13] =	ssyncset.done $0x0  }
0x1c: {  	s16 =	simm.s32 $0x0;
	[sflag:s13] =	ssyncadd.s32 $0xFFFFE000  }
0x1d: {  	v7 =	vld [tilespmem:s16+$0x2100]  }
0x1e: {  	v11 =	vld [tilespmem:s16+$0x2110]  }
0x1f: {  	v5 =	vld [tilespmem:s16+$0x2120]  }
0x20: {  	v4 =	vld [tilespmem:s16+$0x2130]  }
0x21: {  	v3 =	vld [tilespmem:s16+$0x2140]  }
0x22: {  	v2 =	vld [tilespmem:s16+$0x2150]  }
0x23: {  	v1 =	vld [tilespmem:s16+$0x2160]  }
0x24: {  	v0 =	vld [tilespmem:s16+$0x2170]  }
0x25: {  	v12 =	vld [tilespmem:s16+$0x100]  }
0x26: {  	v13 =	vld [tilespmem:s16+$0x110]  }
0x27: {  	v10 =	vld [tilespmem:s16+$0x120]  }
0x28: {  	v9 =	vld [tilespmem:s16+$0x130]  }
0x29: {  	v8 =	vld [tilespmem:s16+$0x140]  }
0x2a: {  	v6 =	vld [tilespmem:s16+$0x150];
	v12 =	vadd.f32 v7, v12  }
0x2b: {  	s17 =	simm.s32 $0x200;
	v11 =	vadd.f32 v11, v13;
	v7 =	vld [tilespmem:s16+$0x160]  }
.LBB2_2:
0x2c: {  	s18 =	sshra.s32 s17, $0x2;
	p0 =	sne.s32 s17, $0x7E00;
	[tilespmem:s16+$0x100] =	vst v12;
	v5 =	vadd.f32 v5, v10;
	v10 =	vld [tilespmem:s16+$0x170]  }
0x2d: {  	v12 =	vld [tilespmem:s18+$0x2100];
	[tilespmem:s16+$0x110] =	vst v11;
	v4 =	vadd.f32 v4, v9  }
0x2e: {  	v11 =	vld [tilespmem:s18+$0x2110];
	[tilespmem:s16+$0x120] =	vst v5;
	v3 =	vadd.f32 v3, v8  }
0x2f: {  	v5 =	vld [tilespmem:s18+$0x2120];
	[tilespmem:s16+$0x130] =	vst v4;
	v2 =	vadd.f32 v2, v6  }
0x30: {  	v4 =	vld [tilespmem:s18+$0x2130];
	[tilespmem:s16+$0x140] =	vst v3;
	v1 =	vadd.f32 v1, v7  }
0x31: {  	v3 =	vld [tilespmem:s18+$0x2140];
	[tilespmem:s16+$0x150] =	vst v2;
	v0 =	vadd.f32 v0, v10  }
0x32: {  	v2 =	vld [tilespmem:s18+$0x2150];
	[tilespmem:s16+$0x160] =	vst v1  }
0x33: {  	v1 =	vld [tilespmem:s18+$0x2160];
	[tilespmem:s16+$0x170] =	vst v0;
	s16 =	smov.u32 s18  }
0x34: {  	v0 =	vld [tilespmem:s16+$0x2170]  }
0x35: {  	v6 =	vld [tilespmem:s16+$0x100]  }
0x36: {  	v7 =	vld [tilespmem:s16+$0x110]  }
.Ltmp0:
0x37: {  	v10 =	vld [tilespmem:s16+$0x120];
	(pc) =	sbr.rel @p0 .LBB2_2-.Ltmp0, $4  }
0x38: {  	v9 =	vld [tilespmem:s16+$0x130]  }
0x39: {  	v8 =	vld [tilespmem:s16+$0x140]  }
0x3a: {  	v12 =	vadd.f32 v12, v6;
	v6 =	vld [tilespmem:s16+$0x150]  }
0x3b: {  	s17 =	sadd.s32 $0x200, s17;
	v11 =	vadd.f32 v11, v7;
	v7 =	vld [tilespmem:s16+$0x160]  }
0x3c: {  	[tilespmem:s16+$0x100] =	vst v12;
	v5 =	vadd.f32 v5, v10;
	v63 =	vld [tilespmem:s16+$0x170]  }
0x3d: {  	[tilespmem:s16+$0x110] =	vst v11;
	v4 =	vadd.f32 v4, v9  }
0x3e: {  	[tilespmem:s16+$0x120] =	vst v5;
	v3 =	vadd.f32 v3, v8  }
0x3f: {  	[tilespmem:s16+$0x130] =	vst v4;
	v2 =	vadd.f32 v2, v6  }
0x40: {  	[tilespmem:s16+$0x140] =	vst v3;
	v1 =	vadd.f32 v1, v7  }
0x41: {  	s15 =	sadd.s32 $0x1, s15;
	[tilespmem:s16+$0x150] =	vst v2;
	v0 =	vadd.f32 v0, v63  }
0x42: {  	p0 =	sne.s32 s15, s8;
	[tilespmem:s16+$0x160] =	vst v1  }
.Ltmp1:
0x43: {  	[tilespmem:s16+$0x170] =	vst v0;
	(pc) =	sbr.rel @p0 .LBB2_1-.Ltmp1, $4  }
0x44: {  	[hbm4b:s7+s4] =	stream.linear.scatter [tilespmem:s12], [sflag:$0x2], $0x2000, $0x38;
	[tilespmem:$0x4100] =	vst v63  }
0x45: {  	_ =	swait.ge [sflag:s9], $0x2000  }
0x46: {  	[sflag:s9] =	ssyncset.done $0x0  }
0x47: {  	[sflag:s9] =	ssyncadd.s32 $0xFFFFE000  }
0x48: {  	_ =	sfence.sel $0x180000  }
0x49: {  	[bflag:$0x0] =	sbarrier.arrive $0xFFFF  }
0x4a: {  	p0 =	sne.s32 s2, $0x0;
	_ =	strace $0x90000047  }
0x4b: {  	s0 =	sadd.s32 @!p0 $0x100000, s1;
	[bflag:$0x2] =	sbarrier.arrive $0xFFFF  }
0x4c: {  	[sflag:s0] =	ssyncadd.tile.s32 @!p0 $0x1;
	_ =	shalt  }
.Lfunc_end2:
_tile_overlayer_lowered:
.L_overlay_start_2:
0x4d: {  	(tag) =	ssettag $0x2  }
0x4e: {  	s0 =	rddreg [dreg:$0x0];
	s2 =	stileid.u32  }
0x4f: {  	s1 =	rddreg [dreg:$0x1];
	p0 =	sne.s32 s2, $0x0  }
0x50: {  	s3 =	rddreg [dreg:$0x2];
	[bflag:$0x3] =	sbarrier.arrive $0xFFFF;
	s2 =	simm.s32 @!p0 $0x1C02  }
0x51: {  	[timem:s3], [sflag:s2] =	dma.local @!p0 [hbm:s0], s1  }
0x52: {  	s0 =	simm.s32 @!p0 $0x2  }
0x53: {  	_ =	swait.ge @!p0 [sflag:s0], s1  }
0x54: {  	s1 =	ssub.s32 @!p0 $0x0, s1;
	[sflag:s0] =	ssyncset.done @!p0 $0x0  }
0x55: {  	[sflag:s0] =	ssyncadd.s32 @!p0 s1  }
0x56: {  	[bflag:$0x3] =	sbarrier.arrive $0xFFFF  }
0x57: {  	_ =	shalt  }

</sc_bundles>
